<compile_context>
chip_gen: v7x
topology: tpu7x:2x2x1
jax: 0.10.2.dev20260603
libtpu: 0.0.44.dev20260713+nightly
codegen_flags: <defaults>
</compile_context>

<pallas_src>
import functools

import jax
import jax.numpy as jnp
from jax import lax
from jax.experimental import pallas as pl
from jax.experimental.pallas import tpu as pltpu
from jax.experimental.pallas import tpu_sc as plsc

_SC_PARAMS = dict(
    compiler_params=pltpu.CompilerParams(needs_layout_passes=False),
)

_CHI = 128


def _sc_mesh():
    return plsc.VectorSubcoreMesh(core_axis_name="c", subcore_axis_name="s")


def _row_partition(M, NS):
    rpt = -(-(M // NS) // 8) * 8
    rlast = M - rpt * (NS - 1)
    assert rlast > 0 and rpt % 8 == 0 and rlast % 8 == 0, (M, NS)
    return rpt, rlast


def _chunking(ept):
    nch = ept // _CHI
    tail = ept - nch * _CHI
    assert tail % 8 == 0
    return nch, tail


def _stage_idx(idx, nways, nch, tail):
    ept = nch * _CHI + tail
    i2 = idx.reshape(nways, ept)
    main = i2[:, :nch * _CHI].reshape(nways, nch, _CHI)
    tl = i2[:, nch * _CHI:]
    return main, tl



def _make_sc_gather(N, D, E):
    info = plsc.get_sparse_core_info()
    NC, NS = info.num_cores, info.num_subcores
    NW = NC * NS
    assert E % NW == 0
    EPT = E // NW
    NCH, TAIL = _chunking(EPT)

    @functools.partial(
        pl.kernel, mesh=_sc_mesh(), **_SC_PARAMS,
        out_type=[jax.ShapeDtypeStruct((E, D), jnp.float32),
                  jax.ShapeDtypeStruct((E, D), jnp.float32)],
        scratch_types=[
            pltpu.VMEM((_CHI,), jnp.int32),
            pltpu.VMEM((_CHI,), jnp.int32),
            pltpu.VMEM((TAIL,), jnp.int32),
            pltpu.VMEM((TAIL,), jnp.int32),
            pltpu.VMEM((_CHI, D), jnp.float32),
            pltpu.VMEM((_CHI, D), jnp.float32),
            pltpu.VMEM((TAIL, D), jnp.float32),
            pltpu.SemaphoreType.DMA,
            pltpu.SemaphoreType.DMA,
        ],
    )
    def gather_k(h_hbm, src2_hbm, srct_hbm, dst2_hbm, dstt_hbm,
                 hs_out, hd_out,
                 row_s, row_d, idxt_s, idxt_d, buf_a, buf_b, buf_t,
                 sem_a, sem_b):
        wid = lax.axis_index("s") * NC + lax.axis_index("c")
        base = wid * EPT
        pltpu.sync_copy(srct_hbm.at[wid], idxt_s)
        pltpu.sync_copy(dstt_hbm.at[wid], idxt_d)

        def body(c, carry):
            off = base + c * _CHI
            pltpu.sync_copy(src2_hbm.at[wid, c], row_s)
            pltpu.sync_copy(dst2_hbm.at[wid, c], row_d)
            ca = pltpu.async_copy(h_hbm.at[row_s], buf_a, sem_a)
            cb = pltpu.async_copy(h_hbm.at[row_d], buf_b, sem_b)
            ca.wait()
            pltpu.sync_copy(buf_a, hs_out.at[pl.ds(off, _CHI)])
            cb.wait()
            pltpu.sync_copy(buf_b, hd_out.at[pl.ds(off, _CHI)])
            return carry

        lax.fori_loop(0, NCH, body, 0)

        toff = base + NCH * _CHI
        pltpu.async_copy(h_hbm.at[idxt_s], buf_t, sem_a).wait()
        pltpu.sync_copy(buf_t, hs_out.at[pl.ds(toff, TAIL)])
        pltpu.async_copy(h_hbm.at[idxt_d], buf_t, sem_a).wait()
        pltpu.sync_copy(buf_t, hd_out.at[pl.ds(toff, TAIL)])

    return gather_k



def _make_sc_scatter(N, D, E):
    info = plsc.get_sparse_core_info()
    NC, NS = info.num_cores, info.num_subcores
    NW = NC * NS
    EPC = E // NS
    NCHM, TAILM = _chunking(EPC)
    EPT = E // NW
    NCHC, TAILC = _chunking(EPT)
    HN = N // NC
    HACC = -(-(HN + 1) // 8) * 8
    RPT, RLAST = _row_partition(HACC, NS)
    CLEN = N * 4

    @functools.partial(
        pl.kernel, mesh=_sc_mesh(), **_SC_PARAMS,
        out_type=[jax.ShapeDtypeStruct((NC, HACC, D), jnp.float32),
                  jax.ShapeDtypeStruct((NW, CLEN), jnp.float32)],
        scratch_types=[
            pltpu.VMEM((_CHI,), jnp.int32),
            pltpu.VMEM((_CHI,), jnp.int32),
            pltpu.VMEM((TAILM,), jnp.int32),
            pltpu.VMEM((TAILM,), jnp.int32),
            pltpu.VMEM((_CHI, D), jnp.float32),
            pltpu.VMEM((TAILM, D), jnp.float32),
            pltpu.VMEM((_CHI,), jnp.int32),
            pltpu.VMEM((_CHI,), jnp.float32),
            pltpu.VMEM((3 * _CHI,), jnp.float32),
            pltpu.VMEM((CLEN,), jnp.float32),
            pltpu.VMEM_SHARED((HACC, D), jnp.float32),
        ],
    )
    def scatter_k(m_hbm, dst2_hbm, dstt_hbm, src_hbm, cw_hbm, diff_hbm,
                  zm_hbm, zc_hbm,
                  mp_out, cp_out,
                  row_d, idx_buf, rowt_d, idxt_buf, m_buf, m_buft,
                  srci, cwb, diffb, cacc, sp_m):
        cid = lax.axis_index("c")
        sid = lax.axis_index("s")
        wid = sid * NC + cid
        lo = cid * HN
        iota16 = lax.iota(jnp.int32, 16)

        @pl.when(sid < NS - 1)
        def _():
            pltpu.sync_copy(zm_hbm.at[pl.ds(sid * RPT, RPT)],
                            sp_m.at[pl.ds(sid * RPT, RPT)])

        @pl.when(sid == NS - 1)
        def _():
            pltpu.sync_copy(zm_hbm.at[pl.ds((NS - 1) * RPT, RLAST)],
                            sp_m.at[pl.ds((NS - 1) * RPT, RLAST)])

        pltpu.sync_copy(zc_hbm, cacc)
        plsc.subcore_barrier()

        base_e = sid * EPC

        def remap(n16, raw_ref, out_ref):
            def rbody(j, carry):
                v = raw_ref[pl.ds(j * 16, 16)]
                t = v - lo
                ok = (t >= 0) & (t < HN)
                out_ref[pl.ds(j * 16, 16)] = jnp.where(ok, t, HN)
                return carry
            lax.fori_loop(0, n16 // 16, rbody, 0)

        def mbody(c, carry):
            off = base_e + c * _CHI
            pltpu.sync_copy(dst2_hbm.at[sid, c], row_d)
            pltpu.sync_copy(m_hbm.at[pl.ds(off, _CHI)], m_buf)
            remap(_CHI, row_d, idx_buf)
            pltpu.sync_copy(m_buf, sp_m.at[idx_buf], add=True)
            return carry

        lax.fori_loop(0, NCHM, mbody, 0)

        toff = base_e + NCHM * _CHI
        pltpu.sync_copy(dstt_hbm.at[sid], rowt_d)
        pltpu.sync_copy(m_hbm.at[pl.ds(toff, TAILM)], m_buft)
        remap(TAILM, rowt_d, idxt_buf)
        pltpu.sync_copy(m_buft, sp_m.at[idxt_buf], add=True)

        base_c = base_e + cid * EPT

        def cchunk(L):
            def cbody(i, carry2):
                iv = iota16 + i * 16
                e = lax.shift_right_logical(iv, 2)
                k = lax.bitwise_and(iv, 3)
                cwv = plsc.load_gather(cwb, [e])
                de = jnp.minimum(e * 3 + k, 3 * L - 1)
                dv = plsc.load_gather(diffb, [de])
                val = jnp.where(k < 3, dv * cwv, 0.0)
                srcv = plsc.load_gather(srci, [e])
                fd = srcv * 4 + k
                for q in range(4):
                    mq = lax.shift_right_logical(iota16, 2) == q
                    plsc.addupdate_scatter(cacc, [fd], val, mask=mq)
                return carry2

            lax.fori_loop(0, (4 * L) // 16, cbody, 0)

        def cbody_outer(c, carry):
            off = base_c + c * _CHI
            pltpu.sync_copy(src_hbm.at[pl.ds(off, _CHI)], srci)
            pltpu.sync_copy(cw_hbm.at[pl.ds(off, _CHI)], cwb)
            pltpu.sync_copy(diff_hbm.at[pl.ds(off * 3, 3 * _CHI)], diffb)
            cchunk(_CHI)
            return carry

        lax.fori_loop(0, NCHC, cbody_outer, 0)

        ctoff = base_c + NCHC * _CHI
        pltpu.sync_copy(src_hbm.at[pl.ds(ctoff, TAILC)],
                        srci.at[pl.ds(0, TAILC)])
        pltpu.sync_copy(cw_hbm.at[pl.ds(ctoff, TAILC)],
                        cwb.at[pl.ds(0, TAILC)])
        pltpu.sync_copy(diff_hbm.at[pl.ds(ctoff * 3, 3 * TAILC)],
                        diffb.at[pl.ds(0, 3 * TAILC)])
        cchunk(TAILC)

        plsc.subcore_barrier()

        @pl.when(sid < NS - 1)
        def _():
            pltpu.sync_copy(sp_m.at[pl.ds(sid * RPT, RPT)],
                            mp_out.at[cid, pl.ds(sid * RPT, RPT)])

        @pl.when(sid == NS - 1)
        def _():
            pltpu.sync_copy(sp_m.at[pl.ds((NS - 1) * RPT, RLAST)],
                            mp_out.at[cid, pl.ds((NS - 1) * RPT, RLAST)])

        pltpu.sync_copy(cacc, cp_out.at[wid])

    return scatter_k



def _silu(x):
    return x * jax.nn.sigmoid(x)


def _edge_body(hs_ref, hd_ref, dist_ref, temb_ref,
               ws_ref, wd_ref, wq_ref, wt_ref, be1_ref,
               we2_ref, be2_ref, wc1_ref, bc1_ref, wc2_ref,
               m_ref, cw_ref):
    f32 = jnp.float32
    x = jnp.dot(hs_ref[...], ws_ref[...], preferred_element_type=f32)
    x = x + jnp.dot(hd_ref[...], wd_ref[...], preferred_element_type=f32)
    x = x + jnp.dot(temb_ref[...], wt_ref[...], preferred_element_type=f32)
    x = x + dist_ref[...] * wq_ref[...]
    x = x + be1_ref[...]
    m1 = _silu(x)
    y = jnp.dot(m1, we2_ref[...], preferred_element_type=f32) + be2_ref[...]
    m = _silu(y)
    m_ref[...] = m
    z = jnp.dot(m, wc1_ref[...], preferred_element_type=f32) + bc1_ref[...]
    t2 = _silu(z)
    cw_ref[...] = jnp.sum(t2 * wc2_ref[...], axis=1, keepdims=True)


def _edge_mlp(hs, hd, dist_sq, t_emb, W_e1, b_e1, W_e2, b_e2,
              W_c1, b_c1, W_c2):
    E, D = hs.shape
    T = t_emb.shape[1]
    BLK = 512
    assert E % BLK == 0
    ws = W_e1[:D]
    wd = W_e1[D:2 * D]
    wq = W_e1[2 * D:2 * D + 1]
    wt = W_e1[2 * D + 1:]
    grid = (E // BLK,)
    full = lambda shape: pl.BlockSpec(shape, lambda i: (0, 0))
    blk = lambda w: pl.BlockSpec((BLK, w), lambda i: (i, 0))
    return pl.pallas_call(
        _edge_body,
        grid=grid,
        in_specs=[
            blk(D), blk(D), blk(1), blk(T),
            full((D, D)), full((D, D)), full((1, D)), full((T, D)),
            full((1, D)), full((D, D)), full((1, D)),
            full((D, D)), full((1, D)), full((1, D)),
        ],
        out_specs=[blk(D), blk(1)],
        out_shape=[jax.ShapeDtypeStruct((E, D), jnp.float32),
                   jax.ShapeDtypeStruct((E, 1), jnp.float32)],
    )(hs, hd, dist_sq, t_emb,
      ws, wd, wq, wt, b_e1.reshape(1, D), W_e2, b_e2.reshape(1, D),
      W_c1, b_c1.reshape(1, D), W_c2.reshape(1, D))


def _node_body(h_ref, mp_ref, t_ref, wh_ref, wm_ref,
               wt_ref, bn1_ref, wn2_ref, bn2_ref, out_ref):
    f32 = jnp.float32
    h = h_ref[...]
    mi = mp_ref[0]
    x = jnp.dot(h, wh_ref[...], preferred_element_type=f32)
    x = x + jnp.dot(mi, wm_ref[...], preferred_element_type=f32)
    x = x + jnp.dot(t_ref[...], wt_ref[...], preferred_element_type=f32)
    x = x + bn1_ref[...]
    u = _silu(x)
    out_ref[...] = h + jnp.dot(u, wn2_ref[...], preferred_element_type=f32) \
        + bn2_ref[...]


def _node_mlp(h, mp, t_emb_nodes, W_n1, b_n1, W_n2, b_n2):
    N, D = h.shape
    T = t_emb_nodes.shape[1]
    NC = mp.shape[0]
    HN = N // NC
    BLK = 1000
    assert N % BLK == 0 and HN % BLK == 0
    NBC = HN // BLK
    wh = W_n1[:D]
    wm = W_n1[D:2 * D]
    wt = W_n1[2 * D:]
    grid = (N // BLK,)
    full = lambda shape: pl.BlockSpec(shape, lambda i: (0, 0))
    return pl.pallas_call(
        _node_body,
        grid=grid,
        in_specs=[
            pl.BlockSpec((BLK, D), lambda i: (i, 0)),
            pl.BlockSpec((1, BLK, D), lambda i: (i // NBC, i % NBC, 0)),
            pl.BlockSpec((BLK, T), lambda i: (i, 0)),
            full((D, D)), full((D, D)), full((T, D)),
            full((1, D)), full((D, D)), full((1, D)),
        ],
        out_specs=pl.BlockSpec((BLK, D), lambda i: (i, 0)),
        out_shape=jax.ShapeDtypeStruct((N, D), jnp.float32),
    )(h, mp, t_emb_nodes, wh, wm, wt,
      b_n1.reshape(1, D), W_n2, b_n2.reshape(1, D))


def _coord_sum_body(cp_ref, out_ref):
    out_ref[...] = jnp.sum(cp_ref[...], axis=0, keepdims=True)


def _coord_sum(cp):
    _, L = cp.shape
    return pl.pallas_call(
        _coord_sum_body,
        out_shape=jax.ShapeDtypeStruct((1, L), jnp.float32),
    )(cp)



def kernel(h, diff_cart, dist_sq, edge_src, edge_dst, t_emb_edges,
           t_emb_nodes, W_e1, b_e1, W_e2, b_e2, W_c1, b_c1, W_c2,
           W_n1, b_n1, W_n2, b_n2):
    N, D = h.shape
    E = edge_src.shape[0]
    info = plsc.get_sparse_core_info()
    NC, NS = info.num_cores, info.num_subcores
    NW = NC * NS
    HN = N // NC
    HACC = -(-(HN + 1) // 8) * 8
    NCHG, TAILG = _chunking(E // NW)
    NCHM, TAILM = _chunking(E // NS)

    gather_k = _make_sc_gather(N, D, E)
    scatter_k = _make_sc_scatter(N, D, E)

    src2, srct = _stage_idx(edge_src, NW, NCHG, TAILG)
    dst2, dstt = _stage_idx(edge_dst, NW, NCHG, TAILG)
    dstm2, dstmt = _stage_idx(edge_dst, NS, NCHM, TAILM)

    hs, hd = gather_k(h, src2, srct, dst2, dstt)
    m, cw = _edge_mlp(hs, hd, dist_sq, t_emb_edges,
                      W_e1, b_e1, W_e2, b_e2, W_c1, b_c1, W_c2)

    zm = jnp.zeros((HACC, D), jnp.float32)
    zc = jnp.zeros((N * 4,), jnp.float32)
    mp, cp = scatter_k(m, dstm2, dstmt, edge_src, cw.reshape(E),
                       diff_cart.reshape(3 * E), zm, zc)

    h_update = _node_mlp(h, mp, t_emb_nodes, W_n1, b_n1, W_n2, b_n2)
    coord_update = _coord_sum(cp).reshape(N, 4)[:, :3]
    return (h_update, coord_update)

# --- scband reference (transcript-rebuilt; emitter-appended) ---
"""Pipeline reference for scband-egnnlayer-23063974379744 (READ-ONLY COPY).

The authoritative reference and input builder live on the scoring server;
editing this copy changes nothing except your own understanding.
"""

import jax, jax.numpy as jnp
import numpy as np

N, E, D, T = 10000, 320000, 128, 16

def silu(x):
    return x * jax.nn.sigmoid(x)

def _lin(k, fi, fo):
    lim = 1.0 / np.sqrt(fi)
    return jax.random.uniform(k, (fi, fo), jnp.float32, -lim, lim)

def setup_inputs(seed: int = 0):
    key = jax.random.key(seed)
    ks = jax.random.split(key, 16)
    h = jax.random.normal(ks[0], (N, D), jnp.float32)
    diff_cart = jax.random.normal(ks[1], (E, 3), jnp.float32)
    dist_sq = jax.random.uniform(ks[2], (E, 1), jnp.float32)
    edge_src = jax.random.randint(ks[3], (E,), 0, N)
    edge_dst = jax.random.randint(ks[4], (E,), 0, N)
    t_emb_edges = jax.random.normal(ks[5], (E, T), jnp.float32)
    t_emb_nodes = jax.random.normal(ks[6], (N, T), jnp.float32)
    W_e1 = _lin(ks[7], 2 * D + 1 + T, D); b_e1 = jnp.zeros((D,), jnp.float32)
    W_e2 = _lin(ks[8], D, D); b_e2 = jnp.zeros((D,), jnp.float32)
    W_c1 = _lin(ks[9], D, D); b_c1 = jnp.zeros((D,), jnp.float32)
    W_c2 = _lin(ks[10], D, 1)
    W_n1 = _lin(ks[11], 2 * D + T, D); b_n1 = jnp.zeros((D,), jnp.float32)
    W_n2 = _lin(ks[12], D, D); b_n2 = jnp.zeros((D,), jnp.float32)
    return {"h": h, "diff_cart": diff_cart, "dist_sq": dist_sq, "edge_src": edge_src, "edge_dst": edge_dst, "t_emb_edges": t_emb_edges, "t_emb_nodes": t_emb_nodes, "W_e1": W_e1, "b_e1": b_e1, "W_e2": W_e2, "b_e2": b_e2, "W_c1": W_c1, "b_c1": b_c1, "W_c2": W_c2, "W_n1": W_n1, "b_n1": b_n1, "W_n2": W_n2, "b_n2": b_n2}

def reference(h, diff_cart, dist_sq, edge_src, edge_dst, t_emb_edges, t_emb_nodes, W_e1, b_e1, W_e2, b_e2, W_c1, b_c1, W_c2, W_n1, b_n1, W_n2, b_n2):
    edge_input = jnp.concatenate([h[edge_src], h[edge_dst], dist_sq, t_emb_edges], axis=-1)
    m_ij = silu(silu(edge_input @ W_e1 + b_e1) @ W_e2 + b_e2)
    coord_weights = silu(m_ij @ W_c1 + b_c1) @ W_c2
    coord_shift = diff_cart * coord_weights
    coord_update = jnp.zeros((h.shape[0], 3), h.dtype).at[edge_src].add(coord_shift)
    m_i = jnp.zeros_like(h).at[edge_dst].add(m_ij)
    node_in = jnp.concatenate([h, m_i, t_emb_nodes], axis=-1)
    h_update = h + (silu(node_in @ W_n1 + b_n1) @ W_n2 + b_n2)
    return (h_update, coord_update)

if __name__ == "__main__":
    import jax
    _d = setup_inputs()
    print(jax.jit(kernel)(*tuple(_d.values())))

</pallas_src>

<mosaic_0001>
#map = affine_map<(d0, d1) -> (0, 0)>
#map1 = affine_map<(d0, d1) -> (0, 0, 0)>
#map2 = affine_map<(d0, d1) -> (0)>
module attributes {stable_mosaic.version = 14 : i64} {
  func.func @scatter_k(%arg0: i32, %arg1: i32, %arg2: memref<320000x128xf32, #tpu.memory_space<hbm>>, %arg3: memref<16x156x128xi32, #tpu.memory_space<hbm>>, %arg4: memref<16x32xi32, #tpu.memory_space<hbm>>, %arg5: memref<320000xi32, #tpu.memory_space<hbm>>, %arg6: memref<320000xf32, #tpu.memory_space<hbm>>, %arg7: memref<960000xf32, #tpu.memory_space<hbm>>, %arg8: memref<5008x128xf32, #tpu.memory_space<hbm>>, %arg9: memref<40000xf32, #tpu.memory_space<hbm>>, %arg10: memref<2x5008x128xf32, #tpu.memory_space<hbm>>, %arg11: memref<32x40000xf32, #tpu.memory_space<hbm>>, %arg12: memref<128xi32, #tpu.memory_space<vmem>>, %arg13: memref<128xi32, #tpu.memory_space<vmem>>, %arg14: memref<32xi32, #tpu.memory_space<vmem>>, %arg15: memref<32xi32, #tpu.memory_space<vmem>>, %arg16: memref<128x128xf32, #tpu.memory_space<vmem>>, %arg17: memref<32x128xf32, #tpu.memory_space<vmem>>, %arg18: memref<128xi32, #tpu.memory_space<vmem>>, %arg19: memref<128xf32, #tpu.memory_space<vmem>>, %arg20: memref<384xf32, #tpu.memory_space<vmem>>, %arg21: memref<40000xf32, #tpu.memory_space<vmem>>, %arg22: memref<5008x128xf32, #tpu.memory_space<vmem_shared>>) attributes {dimension_semantics = [#tpu.dimension_semantics<core_parallel>, #tpu.dimension_semantics<subcore_parallel>], iteration_bounds = array<i64: 2, 16>, scalar_prefetch = 0 : i64, scratch_operands = 11 : i64, tpu.core_type = #tpu.core_type<sc_vector_subcore>, window_params = [{transform_indices = #map}, {transform_indices = #map1}, {transform_indices = #map}, {transform_indices = #map2}, {transform_indices = #map2}, {transform_indices = #map2}, {transform_indices = #map}, {transform_indices = #map2}, {transform_indices = #map1}, {transform_indices = #map}]} {
    %mul3A = arith.constant 2 : i32
    %mul3A_0 = arith.muli %arg1, %mul3A : i32
    %add3A = arith.addi %mul3A_0, %arg0 : i32
    %mul3A_1 = arith.constant 5000 : i32
    %mul3A_2 = arith.muli %arg0, %mul3A_1 : i32
    %iota3A = tpu.iota {dimensions = array<i32: 0>} : vector<16xi32>
    %lt3A = arith.constant 15 : i32
    %lt3A_3 = arith.cmpi slt, %arg1, %lt3A : i32
    %convert_element_type3A = arith.extui %lt3A_3 : i1 to i32
    %cond3A = arith.constant 0 : i32
    %cond3A_4 = arith.cmpi ne, %convert_element_type3A, %cond3A : i32
    scf.if %cond3A_4 {
      %mul3A_54 = arith.constant 320 : i32
      %mul3A_55 = arith.muli %arg1, %mul3A_54 : i32
      %mul3A_56 = arith.constant 320 : i32
      %mul3A_57 = arith.muli %arg1, %mul3A_56 : i32
      "tpu.region"() ({
        %run_scoped3A = tpu.sem_alloc : memref<!tpu.dma_semaphore, #tpu.memory_space<semaphore_mem>>
        %dma_start3A = arith.constant 0 : i32
        %dma_start3A_58 = tpu.memref_slice %arg22[%mul3A_57, %dma_start3A] : memref<5008x128xf32, #tpu.memory_space<vmem_shared>> -> memref<320x128xf32, #tpu.memory_space<vmem_shared>>
        %dma_start3A_59 = arith.constant 0 : i32
        %dma_start3A_60 = tpu.memref_slice %arg8[%mul3A_55, %dma_start3A_59] : memref<5008x128xf32, #tpu.memory_space<hbm>> -> memref<320x128xf32, #tpu.memory_space<hbm>>
        tpu.enqueue_dma source(%dma_start3A_60 : memref<320x128xf32, #tpu.memory_space<hbm>>) target(%dma_start3A_58 : memref<320x128xf32, #tpu.memory_space<vmem_shared>>) target_semaphore(%run_scoped3A : memref<!tpu.dma_semaphore, #tpu.memory_space<semaphore_mem>>)
        %dma_wait3A = arith.constant 0 : i32
        %dma_wait3A_61 = tpu.memref_slice %arg22[%mul3A_57, %dma_wait3A] : memref<5008x128xf32, #tpu.memory_space<vmem_shared>> -> memref<320x128xf32, #tpu.memory_space<vmem_shared>>
        %dma_wait3A_62 = arith.constant 0 : i32
        %dma_wait3A_63 = tpu.memref_slice %arg8[%mul3A_55, %dma_wait3A_62] : memref<5008x128xf32, #tpu.memory_space<hbm>> -> memref<320x128xf32, #tpu.memory_space<hbm>>
        tpu.wait_dma2 semaphore(%run_scoped3A : memref<!tpu.dma_semaphore, #tpu.memory_space<semaphore_mem>>) src(%dma_wait3A_63 : memref<320x128xf32, #tpu.memory_space<hbm>>) dst(%dma_wait3A_61 : memref<320x128xf32, #tpu.memory_space<vmem_shared>>)
        tpu.yield
      }) : () -> ()
    } else {
    }
    %eq3A = arith.constant 15 : i32
    %eq3A_5 = arith.cmpi eq, %arg1, %eq3A : i32
    %convert_element_type3A_6 = arith.extui %eq3A_5 : i1 to i32
    %cond3A_7 = arith.constant 0 : i32
    %cond3A_8 = arith.cmpi ne, %convert_element_type3A_6, %cond3A_7 : i32
    scf.if %cond3A_8 {
      "tpu.region"() ({
        %run_scoped3A = tpu.sem_alloc : memref<!tpu.dma_semaphore, #tpu.memory_space<semaphore_mem>>
        %dma_start3A = arith.constant 4800 : i32
        %dma_start3A_54 = arith.constant 0 : i32
        %dma_start3A_55 = tpu.memref_slice %arg22[%dma_start3A, %dma_start3A_54] : memref<5008x128xf32, #tpu.memory_space<vmem_shared>> -> memref<208x128xf32, #tpu.memory_space<vmem_shared>>
        %dma_start3A_56 = arith.constant 4800 : i32
        %dma_start3A_57 = arith.constant 0 : i32
        %dma_start3A_58 = tpu.memref_slice %arg8[%dma_start3A_56, %dma_start3A_57] : memref<5008x128xf32, #tpu.memory_space<hbm>> -> memref<208x128xf32, #tpu.memory_space<hbm>>
        tpu.enqueue_dma source(%dma_start3A_58 : memref<208x128xf32, #tpu.memory_space<hbm>>) target(%dma_start3A_55 : memref<208x128xf32, #tpu.memory_space<vmem_shared>>) target_semaphore(%run_scoped3A : memref<!tpu.dma_semaphore, #tpu.memory_space<semaphore_mem>>)
        %dma_wait3A = arith.constant 4800 : i32
        %dma_wait3A_59 = arith.constant 0 : i32
        %dma_wait3A_60 = tpu.memref_slice %arg22[%dma_wait3A, %dma_wait3A_59] : memref<5008x128xf32, #tpu.memory_space<vmem_shared>> -> memref<208x128xf32, #tpu.memory_space<vmem_shared>>
        %dma_wait3A_61 = arith.constant 4800 : i32
        %dma_wait3A_62 = arith.constant 0 : i32
        %dma_wait3A_63 = tpu.memref_slice %arg8[%dma_wait3A_61, %dma_wait3A_62] : memref<5008x128xf32, #tpu.memory_space<hbm>> -> memref<208x128xf32, #tpu.memory_space<hbm>>
        tpu.wait_dma2 semaphore(%run_scoped3A : memref<!tpu.dma_semaphore, #tpu.memory_space<semaphore_mem>>) src(%dma_wait3A_63 : memref<208x128xf32, #tpu.memory_space<hbm>>) dst(%dma_wait3A_60 : memref<208x128xf32, #tpu.memory_space<vmem_shared>>)
        tpu.yield
      }) : () -> ()
    } else {
    }
    "tpu.region"() ({
      %run_scoped3A = tpu.sem_alloc : memref<!tpu.dma_semaphore, #tpu.memory_space<semaphore_mem>>
      tpu.enqueue_dma source(%arg9 : memref<40000xf32, #tpu.memory_space<hbm>>) target(%arg21 : memref<40000xf32, #tpu.memory_space<vmem>>) target_semaphore(%run_scoped3A : memref<!tpu.dma_semaphore, #tpu.memory_space<semaphore_mem>>)
      tpu.wait_dma2 semaphore(%run_scoped3A : memref<!tpu.dma_semaphore, #tpu.memory_space<semaphore_mem>>) src(%arg9 : memref<40000xf32, #tpu.memory_space<hbm>>) dst(%arg21 : memref<40000xf32, #tpu.memory_space<vmem>>)
      tpu.yield
    }) : () -> ()
    %barrier3A = arith.constant 0 : index
    tpu.barrier barrier_id(%barrier3A)
    %mul3A_9 = arith.constant 20000 : i32
    %mul3A_10 = arith.muli %arg1, %mul3A_9 : i32
    %scan3A = arith.constant 0 : i32
    %scan3A_11 = arith.constant 0 : i32
    %scan3A_12 = arith.constant 156 : i32
    %scan3A_13 = arith.addi %scan3A_11, %scan3A_12 : i32
    %scan3A_14 = arith.constant 1 : i32
    scf.for %scan3A_54 = %scan3A_11 to %scan3A_13 step %scan3A_14  : i32 {
      %mul3A_55 = arith.constant 128 : i32
      %mul3A_56 = arith.muli %scan3A_54, %mul3A_55 : i32
      %add3A_57 = arith.addi %mul3A_10, %mul3A_56 : i32
      "tpu.region"() ({
        %run_scoped3A = tpu.sem_alloc : memref<!tpu.dma_semaphore, #tpu.memory_space<semaphore_mem>>
        %dma_start3A = arith.constant 0 : i32
        %dma_start3A_64 = tpu.memref_slice %arg3[%arg1, %scan3A_54, %dma_start3A] : memref<16x156x128xi32, #tpu.memory_space<hbm>> -> memref<1x1x128xi32, #tpu.memory_space<hbm>>
        %dma_start3A_65 = tpu.memref_squeeze %dma_start3A_64 : memref<1x1x128xi32, #tpu.memory_space<hbm>> -> memref<128xi32, #tpu.memory_space<hbm>>
        %dma_start3A_66 = arith.constant 0 : i32
        %dma_start3A_67 = tpu.memref_slice %arg3[%arg1, %scan3A_54, %dma_start3A_66] : memref<16x156x128xi32, #tpu.memory_space<hbm>> -> memref<1x1x128xi32, #tpu.memory_space<hbm>>
        %dma_start3A_68 = tpu.memref_squeeze %dma_start3A_67 : memref<1x1x128xi32, #tpu.memory_space<hbm>> -> memref<128xi32, #tpu.memory_space<hbm>>
        tpu.enqueue_dma source(%dma_start3A_68 : memref<128xi32, #tpu.memory_space<hbm>>) target(%arg12 : memref<128xi32, #tpu.memory_space<vmem>>) target_semaphore(%run_scoped3A : memref<!tpu.dma_semaphore, #tpu.memory_space<semaphore_mem>>)
        %dma_wait3A = arith.constant 0 : i32
        %dma_wait3A_69 = tpu.memref_slice %arg3[%arg1, %scan3A_54, %dma_wait3A] : memref<16x156x128xi32, #tpu.memory_space<hbm>> -> memref<1x1x128xi32, #tpu.memory_space<hbm>>
        %dma_wait3A_70 = tpu.memref_squeeze %dma_wait3A_69 : memref<1x1x128xi32, #tpu.memory_space<hbm>> -> memref<128xi32, #tpu.memory_space<hbm>>
        %dma_wait3A_71 = arith.constant 0 : i32
        %dma_wait3A_72 = tpu.memref_slice %arg3[%arg1, %scan3A_54, %dma_wait3A_71] : memref<16x156x128xi32, #tpu.memory_space<hbm>> -> memref<1x1x128xi32, #tpu.memory_space<hbm>>
        %dma_wait3A_73 = tpu.memref_squeeze %dma_wait3A_72 : memref<1x1x128xi32, #tpu.memory_space<hbm>> -> memref<128xi32, #tpu.memory_space<hbm>>
        tpu.wait_dma2 semaphore(%run_scoped3A : memref<!tpu.dma_semaphore, #tpu.memory_space<semaphore_mem>>) src(%dma_wait3A_73 : memref<128xi32, #tpu.memory_space<hbm>>) dst(%arg12 : memref<128xi32, #tpu.memory_space<vmem>>)
        tpu.yield
      }) : () -> ()
      "tpu.region"() ({
        %run_scoped3A = tpu.sem_alloc : memref<!tpu.dma_semaphore, #tpu.memory_space<semaphore_mem>>
        %dma_start3A = arith.constant 0 : i32
        %dma_start3A_64 = tpu.memref_slice %arg2[%add3A_57, %dma_start3A] : memref<320000x128xf32, #tpu.memory_space<hbm>> -> memref<128x128xf32, #tpu.memory_space<hbm>>
        %dma_start3A_65 = arith.constant 0 : i32
        %dma_start3A_66 = tpu.memref_slice %arg2[%add3A_57, %dma_start3A_65] : memref<320000x128xf32, #tpu.memory_space<hbm>> -> memref<128x128xf32, #tpu.memory_space<hbm>>
        tpu.enqueue_dma source(%dma_start3A_66 : memref<128x128xf32, #tpu.memory_space<hbm>>) target(%arg16 : memref<128x128xf32, #tpu.memory_space<vmem>>) target_semaphore(%run_scoped3A : memref<!tpu.dma_semaphore, #tpu.memory_space<semaphore_mem>>)
        %dma_wait3A = arith.constant 0 : i32
        %dma_wait3A_67 = tpu.memref_slice %arg2[%add3A_57, %dma_wait3A] : memref<320000x128xf32, #tpu.memory_space<hbm>> -> memref<128x128xf32, #tpu.memory_space<hbm>>
        %dma_wait3A_68 = arith.constant 0 : i32
        %dma_wait3A_69 = tpu.memref_slice %arg2[%add3A_57, %dma_wait3A_68] : memref<320000x128xf32, #tpu.memory_space<hbm>> -> memref<128x128xf32, #tpu.memory_space<hbm>>
        tpu.wait_dma2 semaphore(%run_scoped3A : memref<!tpu.dma_semaphore, #tpu.memory_space<semaphore_mem>>) src(%dma_wait3A_69 : memref<128x128xf32, #tpu.memory_space<hbm>>) dst(%arg16 : memref<128x128xf32, #tpu.memory_space<vmem>>)
        tpu.yield
      }) : () -> ()
      %scan3A_58 = arith.constant 0 : i32
      %scan3A_59 = arith.constant 0 : i32
      %scan3A_60 = arith.constant 8 : i32
      %scan3A_61 = arith.addi %scan3A_59, %scan3A_60 : i32
      %scan3A_62 = arith.constant 1 : i32
      scf.for %scan3A_64 = %scan3A_59 to %scan3A_61 step %scan3A_62  : i32 {
        %mul3A_65 = arith.constant 16 : i32
        %mul3A_66 = arith.muli %scan3A_64, %mul3A_65 : i32
        %get3A = arith.index_cast %mul3A_66 : i32 to index
        %get3A_67 = tpu.vector_load %arg12[%get3A] {strides = array<i32>} : memref<128xi32, #tpu.memory_space<vmem>>, vector<16xi32>,
        %sub3A = vector.broadcast %mul3A_2 : i32 to vector<16xi32>
        %sub3A_68 = arith.subi %get3A_67, %sub3A : vector<16xi32>
        %ge3A = arith.constant 0 : i32
        %ge3A_69 = vector.broadcast %ge3A : i32 to vector<16xi32>
        %ge3A_70 = arith.cmpi sge, %sub3A_68, %ge3A_69 : vector<16xi32>
        %lt3A_71 = arith.constant 5000 : i32
        %lt3A_72 = vector.broadcast %lt3A_71 : i32 to vector<16xi32>
        %lt3A_73 = arith.cmpi slt, %sub3A_68, %lt3A_72 : vector<16xi32>
        %and3A = arith.andi %ge3A_70, %lt3A_73 : vector<16xi1>
        %jit3A = arith.constant 5000 : i32
        %broadcast_in_dim3A = vector.broadcast %jit3A : i32 to vector<16xi32>
        %select_n3A = arith.select %and3A, %sub3A_68, %broadcast_in_dim3A : vector<16xi1>, vector<16xi32>
        %mul3A_74 = arith.constant 16 : i32
        %mul3A_75 = arith.muli %scan3A_64, %mul3A_74 : i32
        %swap3A = arith.index_cast %mul3A_75 : i32 to index
        %swap3A_76 = tpu.vector_load %arg13[%swap3A] {strides = array<i32>} : memref<128xi32, #tpu.memory_space<vmem>>, vector<16xi32>,
        tpu.vector_store %arg13[%swap3A], %select_n3A {strides = array<i32>} : memref<128xi32, #tpu.memory_space<vmem>>, vector<16xi32>,
      }
      %scan3A_63 = arith.constant 8 : i32
      "tpu.region"() ({
        %run_scoped3A = tpu.sem_alloc : memref<!tpu.dma_semaphore, #tpu.memory_space<semaphore_mem>>
        %dma_start3A = arith.constant 0 : i32
        %dma_start3A_64 = arith.constant 0 : i32
        %dma_start3A_65 = tpu.memref_slice %arg22[%dma_start3A, %dma_start3A_64] : memref<5008x128xf32, #tpu.memory_space<vmem_shared>> -> memref<5008x128xf32, #tpu.memory_space<vmem_shared>>
        tpu.enqueue_indirect_dma source(%arg16 : memref<128x128xf32, #tpu.memory_space<vmem>>) target(%dma_start3A_65 : memref<5008x128xf32, #tpu.memory_space<vmem_shared>>) offsets(%arg13 : memref<128xi32, #tpu.memory_space<vmem>>) semaphore(%run_scoped3A : memref<!tpu.dma_semaphore, #tpu.memory_space<semaphore_mem>>) {add = true}
        %dma_wait3A = arith.constant 0 : i32
        %dma_wait3A_66 = arith.constant 0 : i32
        %dma_wait3A_67 = tpu.memref_slice %arg22[%dma_wait3A, %dma_wait3A_66] : memref<5008x128xf32, #tpu.memory_space<vmem_shared>> -> memref<5008x128xf32, #tpu.memory_space<vmem_shared>>
        tpu.wait_indirect_dma semaphore(%run_scoped3A : memref<!tpu.dma_semaphore, #tpu.memory_space<semaphore_mem>>) src(%arg16 : memref<128x128xf32, #tpu.memory_space<vmem>>) dst(%dma_wait3A_67 : memref<5008x128xf32, #tpu.memory_space<vmem_shared>>)
        tpu.yield
      }) : () -> ()
    }
    %scan3A_15 = arith.constant 156 : i32
    %add3A_16 = arith.constant 19968 : i32
    %add3A_17 = arith.addi %mul3A_10, %add3A_16 : i32
    "tpu.region"() ({
      %run_scoped3A = tpu.sem_alloc : memref<!tpu.dma_semaphore, #tpu.memory_space<semaphore_mem>>
      %dma_start3A = arith.constant 0 : i32
      %dma_start3A_54 = tpu.memref_slice %arg4[%arg1, %dma_start3A] : memref<16x32xi32, #tpu.memory_space<hbm>> -> memref<1x32xi32, #tpu.memory_space<hbm>>
      %dma_start3A_55 = tpu.memref_squeeze %dma_start3A_54 : memref<1x32xi32, #tpu.memory_space<hbm>> -> memref<32xi32, #tpu.memory_space<hbm>>
      %dma_start3A_56 = arith.constant 0 : i32
      %dma_start3A_57 = tpu.memref_slice %arg4[%arg1, %dma_start3A_56] : memref<16x32xi32, #tpu.memory_space<hbm>> -> memref<1x32xi32, #tpu.memory_space<hbm>>
      %dma_start3A_58 = tpu.memref_squeeze %dma_start3A_57 : memref<1x32xi32, #tpu.memory_space<hbm>> -> memref<32xi32, #tpu.memory_space<hbm>>
      tpu.enqueue_dma source(%dma_start3A_58 : memref<32xi32, #tpu.memory_space<hbm>>) target(%arg14 : memref<32xi32, #tpu.memory_space<vmem>>) target_semaphore(%run_scoped3A : memref<!tpu.dma_semaphore, #tpu.memory_space<semaphore_mem>>)
      %dma_wait3A = arith.constant 0 : i32
      %dma_wait3A_59 = tpu.memref_slice %arg4[%arg1, %dma_wait3A] : memref<16x32xi32, #tpu.memory_space<hbm>> -> memref<1x32xi32, #tpu.memory_space<hbm>>
      %dma_wait3A_60 = tpu.memref_squeeze %dma_wait3A_59 : memref<1x32xi32, #tpu.memory_space<hbm>> -> memref<32xi32, #tpu.memory_space<hbm>>
      %dma_wait3A_61 = arith.constant 0 : i32
      %dma_wait3A_62 = tpu.memref_slice %arg4[%arg1, %dma_wait3A_61] : memref<16x32xi32, #tpu.memory_space<hbm>> -> memref<1x32xi32, #tpu.memory_space<hbm>>
      %dma_wait3A_63 = tpu.memref_squeeze %dma_wait3A_62 : memref<1x32xi32, #tpu.memory_space<hbm>> -> memref<32xi32, #tpu.memory_space<hbm>>
      tpu.wait_dma2 semaphore(%run_scoped3A : memref<!tpu.dma_semaphore, #tpu.memory_space<semaphore_mem>>) src(%dma_wait3A_63 : memref<32xi32, #tpu.memory_space<hbm>>) dst(%arg14 : memref<32xi32, #tpu.memory_space<vmem>>)
      tpu.yield
    }) : () -> ()
    "tpu.region"() ({
      %run_scoped3A = tpu.sem_alloc : memref<!tpu.dma_semaphore, #tpu.memory_space<semaphore_mem>>
      %dma_start3A = arith.constant 0 : i32
      %dma_start3A_54 = tpu.memref_slice %arg2[%add3A_17, %dma_start3A] : memref<320000x128xf32, #tpu.memory_space<hbm>> -> memref<32x128xf32, #tpu.memory_space<hbm>>
      %dma_start3A_55 = arith.constant 0 : i32
      %dma_start3A_56 = tpu.memref_slice %arg2[%add3A_17, %dma_start3A_55] : memref<320000x128xf32, #tpu.memory_space<hbm>> -> memref<32x128xf32, #tpu.memory_space<hbm>>
      tpu.enqueue_dma source(%dma_start3A_56 : memref<32x128xf32, #tpu.memory_space<hbm>>) target(%arg17 : memref<32x128xf32, #tpu.memory_space<vmem>>) target_semaphore(%run_scoped3A : memref<!tpu.dma_semaphore, #tpu.memory_space<semaphore_mem>>)
      %dma_wait3A = arith.constant 0 : i32
      %dma_wait3A_57 = tpu.memref_slice %arg2[%add3A_17, %dma_wait3A] : memref<320000x128xf32, #tpu.memory_space<hbm>> -> memref<32x128xf32, #tpu.memory_space<hbm>>
      %dma_wait3A_58 = arith.constant 0 : i32
      %dma_wait3A_59 = tpu.memref_slice %arg2[%add3A_17, %dma_wait3A_58] : memref<320000x128xf32, #tpu.memory_space<hbm>> -> memref<32x128xf32, #tpu.memory_space<hbm>>
      tpu.wait_dma2 semaphore(%run_scoped3A : memref<!tpu.dma_semaphore, #tpu.memory_space<semaphore_mem>>) src(%dma_wait3A_59 : memref<32x128xf32, #tpu.memory_space<hbm>>) dst(%arg17 : memref<32x128xf32, #tpu.memory_space<vmem>>)
      tpu.yield
    }) : () -> ()
    %scan3A_18 = arith.constant 0 : i32
    %scan3A_19 = arith.constant 0 : i32
    %scan3A_20 = arith.constant 2 : i32
    %scan3A_21 = arith.addi %scan3A_19, %scan3A_20 : i32
    %scan3A_22 = arith.constant 1 : i32
    scf.for %scan3A_54 = %scan3A_19 to %scan3A_21 step %scan3A_22  : i32 {
      %mul3A_55 = arith.constant 16 : i32
      %mul3A_56 = arith.muli %scan3A_54, %mul3A_55 : i32
      %get3A = arith.index_cast %mul3A_56 : i32 to index
      %get3A_57 = tpu.vector_load %arg14[%get3A] {strides = array<i32>} : memref<32xi32, #tpu.memory_space<vmem>>, vector<16xi32>,
      %sub3A = vector.broadcast %mul3A_2 : i32 to vector<16xi32>
      %sub3A_58 = arith.subi %get3A_57, %sub3A : vector<16xi32>
      %ge3A = arith.constant 0 : i32
      %ge3A_59 = vector.broadcast %ge3A : i32 to vector<16xi32>
      %ge3A_60 = arith.cmpi sge, %sub3A_58, %ge3A_59 : vector<16xi32>
      %lt3A_61 = arith.constant 5000 : i32
      %lt3A_62 = vector.broadcast %lt3A_61 : i32 to vector<16xi32>
      %lt3A_63 = arith.cmpi slt, %sub3A_58, %lt3A_62 : vector<16xi32>
      %and3A = arith.andi %ge3A_60, %lt3A_63 : vector<16xi1>
      %jit3A = arith.constant 5000 : i32
      %broadcast_in_dim3A = vector.broadcast %jit3A : i32 to vector<16xi32>
      %select_n3A = arith.select %and3A, %sub3A_58, %broadcast_in_dim3A : vector<16xi1>, vector<16xi32>
      %mul3A_64 = arith.constant 16 : i32
      %mul3A_65 = arith.muli %scan3A_54, %mul3A_64 : i32
      %swap3A = arith.index_cast %mul3A_65 : i32 to index
      %swap3A_66 = tpu.vector_load %arg15[%swap3A] {strides = array<i32>} : memref<32xi32, #tpu.memory_space<vmem>>, vector<16xi32>,
      tpu.vector_store %arg15[%swap3A], %select_n3A {strides = array<i32>} : memref<32xi32, #tpu.memory_space<vmem>>, vector<16xi32>,
    }
    %scan3A_23 = arith.constant 2 : i32
    "tpu.region"() ({
      %run_scoped3A = tpu.sem_alloc : memref<!tpu.dma_semaphore, #tpu.memory_space<semaphore_mem>>
      %dma_start3A = arith.constant 0 : i32
      %dma_start3A_54 = arith.constant 0 : i32
      %dma_start3A_55 = tpu.memref_slice %arg22[%dma_start3A, %dma_start3A_54] : memref<5008x128xf32, #tpu.memory_space<vmem_shared>> -> memref<5008x128xf32, #tpu.memory_space<vmem_shared>>
      tpu.enqueue_indirect_dma source(%arg17 : memref<32x128xf32, #tpu.memory_space<vmem>>) target(%dma_start3A_55 : memref<5008x128xf32, #tpu.memory_space<vmem_shared>>) offsets(%arg15 : memref<32xi32, #tpu.memory_space<vmem>>) semaphore(%run_scoped3A : memref<!tpu.dma_semaphore, #tpu.memory_space<semaphore_mem>>) {add = true}
      %dma_wait3A = arith.constant 0 : i32
      %dma_wait3A_56 = arith.constant 0 : i32
      %dma_wait3A_57 = tpu.memref_slice %arg22[%dma_wait3A, %dma_wait3A_56] : memref<5008x128xf32, #tpu.memory_space<vmem_shared>> -> memref<5008x128xf32, #tpu.memory_space<vmem_shared>>
      tpu.wait_indirect_dma semaphore(%run_scoped3A : memref<!tpu.dma_semaphore, #tpu.memory_space<semaphore_mem>>) src(%arg17 : memref<32x128xf32, #tpu.memory_space<vmem>>) dst(%dma_wait3A_57 : memref<5008x128xf32, #tpu.memory_space<vmem_shared>>)
      tpu.yield
    }) : () -> ()
    %mul3A_24 = arith.constant 10000 : i32
    %mul3A_25 = arith.muli %arg0, %mul3A_24 : i32
    %add3A_26 = arith.addi %mul3A_10, %mul3A_25 : i32
    %scan3A_27 = arith.constant 0 : i32
    %scan3A_28 = arith.constant 0 : i32
    %scan3A_29 = arith.constant 78 : i32
    %scan3A_30 = arith.addi %scan3A_28, %scan3A_29 : i32
    %scan3A_31 = arith.constant 1 : i32
    scf.for %scan3A_54 = %scan3A_28 to %scan3A_30 step %scan3A_31  : i32 {
      %mul3A_55 = arith.constant 128 : i32
      %mul3A_56 = arith.muli %scan3A_54, %mul3A_55 : i32
      %add3A_57 = arith.addi %add3A_26, %mul3A_56 : i32
      "tpu.region"() ({
        %run_scoped3A = tpu.sem_alloc : memref<!tpu.dma_semaphore, #tpu.memory_space<semaphore_mem>>
        %dma_start3A = tpu.memref_slice %arg5[%add3A_57] : memref<320000xi32, #tpu.memory_space<hbm>> -> memref<128xi32, #tpu.memory_space<hbm>>
        %dma_start3A_66 = tpu.memref_slice %arg5[%add3A_57] : memref<320000xi32, #tpu.memory_space<hbm>> -> memref<128xi32, #tpu.memory_space<hbm>>
        tpu.enqueue_dma source(%dma_start3A_66 : memref<128xi32, #tpu.memory_space<hbm>>) target(%arg18 : memref<128xi32, #tpu.memory_space<vmem>>) target_semaphore(%run_scoped3A : memref<!tpu.dma_semaphore, #tpu.memory_space<semaphore_mem>>)
        %dma_wait3A = tpu.memref_slice %arg5[%add3A_57] : memref<320000xi32, #tpu.memory_space<hbm>> -> memref<128xi32, #tpu.memory_space<hbm>>
        %dma_wait3A_67 = tpu.memref_slice %arg5[%add3A_57] : memref<320000xi32, #tpu.memory_space<hbm>> -> memref<128xi32, #tpu.memory_space<hbm>>
        tpu.wait_dma2 semaphore(%run_scoped3A : memref<!tpu.dma_semaphore, #tpu.memory_space<semaphore_mem>>) src(%dma_wait3A_67 : memref<128xi32, #tpu.memory_space<hbm>>) dst(%arg18 : memref<128xi32, #tpu.memory_space<vmem>>)
        tpu.yield
      }) : () -> ()
      "tpu.region"() ({
        %run_scoped3A = tpu.sem_alloc : memref<!tpu.dma_semaphore, #tpu.memory_space<semaphore_mem>>
        %dma_start3A = tpu.memref_slice %arg6[%add3A_57] : memref<320000xf32, #tpu.memory_space<hbm>> -> memref<128xf32, #tpu.memory_space<hbm>>
        %dma_start3A_66 = tpu.memref_slice %arg6[%add3A_57] : memref<320000xf32, #tpu.memory_space<hbm>> -> memref<128xf32, #tpu.memory_space<hbm>>
        tpu.enqueue_dma source(%dma_start3A_66 : memref<128xf32, #tpu.memory_space<hbm>>) target(%arg19 : memref<128xf32, #tpu.memory_space<vmem>>) target_semaphore(%run_scoped3A : memref<!tpu.dma_semaphore, #tpu.memory_space<semaphore_mem>>)
        %dma_wait3A = tpu.memref_slice %arg6[%add3A_57] : memref<320000xf32, #tpu.memory_space<hbm>> -> memref<128xf32, #tpu.memory_space<hbm>>
        %dma_wait3A_67 = tpu.memref_slice %arg6[%add3A_57] : memref<320000xf32, #tpu.memory_space<hbm>> -> memref<128xf32, #tpu.memory_space<hbm>>
        tpu.wait_dma2 semaphore(%run_scoped3A : memref<!tpu.dma_semaphore, #tpu.memory_space<semaphore_mem>>) src(%dma_wait3A_67 : memref<128xf32, #tpu.memory_space<hbm>>) dst(%arg19 : memref<128xf32, #tpu.memory_space<vmem>>)
        tpu.yield
      }) : () -> ()
      %mul3A_58 = arith.constant 3 : i32
      %mul3A_59 = arith.muli %add3A_57, %mul3A_58 : i32
      "tpu.region"() ({
        %run_scoped3A = tpu.sem_alloc : memref<!tpu.dma_semaphore, #tpu.memory_space<semaphore_mem>>
        %dma_start3A = tpu.memref_slice %arg7[%mul3A_59] : memref<960000xf32, #tpu.memory_space<hbm>> -> memref<384xf32, #tpu.memory_space<hbm>>
        %dma_start3A_66 = tpu.memref_slice %arg7[%mul3A_59] : memref<960000xf32, #tpu.memory_space<hbm>> -> memref<384xf32, #tpu.memory_space<hbm>>
        tpu.enqueue_dma source(%dma_start3A_66 : memref<384xf32, #tpu.memory_space<hbm>>) target(%arg20 : memref<384xf32, #tpu.memory_space<vmem>>) target_semaphore(%run_scoped3A : memref<!tpu.dma_semaphore, #tpu.memory_space<semaphore_mem>>)
        %dma_wait3A = tpu.memref_slice %arg7[%mul3A_59] : memref<960000xf32, #tpu.memory_space<hbm>> -> memref<384xf32, #tpu.memory_space<hbm>>
        %dma_wait3A_67 = tpu.memref_slice %arg7[%mul3A_59] : memref<960000xf32, #tpu.memory_space<hbm>> -> memref<384xf32, #tpu.memory_space<hbm>>
        tpu.wait_dma2 semaphore(%run_scoped3A : memref<!tpu.dma_semaphore, #tpu.memory_space<semaphore_mem>>) src(%dma_wait3A_67 : memref<384xf32, #tpu.memory_space<hbm>>) dst(%arg20 : memref<384xf32, #tpu.memory_space<vmem>>)
        tpu.yield
      }) : () -> ()
      %scan3A_60 = arith.constant 0 : i32
      %scan3A_61 = arith.constant 0 : i32
      %scan3A_62 = arith.constant 32 : i32
      %scan3A_63 = arith.addi %scan3A_61, %scan3A_62 : i32
      %scan3A_64 = arith.constant 1 : i32
      scf.for %scan3A_66 = %scan3A_61 to %scan3A_63 step %scan3A_64  : i32 {
        %mul3A_67 = arith.constant 16 : i32
        %mul3A_68 = arith.muli %scan3A_66, %mul3A_67 : i32
        %add3A_69 = vector.broadcast %mul3A_68 : i32 to vector<16xi32>
        %add3A_70 = arith.addi %iota3A, %add3A_69 : vector<16xi32>
        %shift_right_logical3A = arith.constant 2 : i32
        %shift_right_logical3A_71 = vector.broadcast %shift_right_logical3A : i32 to vector<16xi32>
        %shift_right_logical3A_72 = arith.shrui %add3A_70, %shift_right_logical3A_71 : vector<16xi32>
        %and3A = arith.constant 3 : i32
        %and3A_73 = vector.broadcast %and3A : i32 to vector<16xi32>
        %and3A_74 = arith.andi %add3A_70, %and3A_73 : vector<16xi32>
        %gather3A = tpu.vector_load_idx %arg19[%shift_right_logical3A_72] : memref<128xf32, #tpu.memory_space<vmem>>[vector<16xi32>], vector<16xf32>,
        %mul3A_75 = arith.constant 3 : i32
        %mul3A_76 = vector.broadcast %mul3A_75 : i32 to vector<16xi32>
        %mul3A_77 = arith.muli %shift_right_logical3A_72, %mul3A_76 : vector<16xi32>
        %add3A_78 = arith.addi %mul3A_77, %and3A_74 : vector<16xi32>
        %min3A = arith.constant 383 : i32
        %min3A_79 = vector.broadcast %min3A : i32 to vector<16xi32>
        %min3A_80 = arith.minsi %add3A_78, %min3A_79 : vector<16xi32>
        %gather3A_81 = tpu.vector_load_idx %arg20[%min3A_80] : memref<384xf32, #tpu.memory_space<vmem>>[vector<16xi32>], vector<16xf32>,
        %lt3A_82 = arith.constant 3 : i32
        %lt3A_83 = vector.broadcast %lt3A_82 : i32 to vector<16xi32>
        %lt3A_84 = arith.cmpi slt, %and3A_74, %lt3A_83 : vector<16xi32>
        %mul3A_85 = arith.mulf %gather3A_81, %gather3A : vector<16xf32>
        %jit3A = arith.constant 0.000000e+00 : f32
        %broadcast_in_dim3A = vector.broadcast %jit3A : f32 to vector<16xf32>
        %select_n3A = arith.select %lt3A_84, %mul3A_85, %broadcast_in_dim3A : vector<16xi1>, vector<16xf32>
        %gather3A_86 = tpu.vector_load_idx %arg18[%shift_right_logical3A_72] : memref<128xi32, #tpu.memory_space<vmem>>[vector<16xi32>], vector<16xi32>,
        %mul3A_87 = arith.constant 4 : i32
        %mul3A_88 = vector.broadcast %mul3A_87 : i32 to vector<16xi32>
        %mul3A_89 = arith.muli %gather3A_86, %mul3A_88 : vector<16xi32>
        %add3A_90 = arith.addi %mul3A_89, %and3A_74 : vector<16xi32>
        %shift_right_logical3A_91 = arith.constant 2 : i32
        %shift_right_logical3A_92 = vector.broadcast %shift_right_logical3A_91 : i32 to vector<16xi32>
        %shift_right_logical3A_93 = arith.shrui %iota3A, %shift_right_logical3A_92 : vector<16xi32>
        %eq3A_94 = arith.constant 0 : i32
        %eq3A_95 = vector.broadcast %eq3A_94 : i32 to vector<16xi32>
        %eq3A_96 = arith.cmpi eq, %shift_right_logical3A_93, %eq3A_95 : vector<16xi32>
        tpu.vector_store_idx %arg21[%add3A_90], %select_n3A masked %eq3A_96 {add = true} : memref<40000xf32, #tpu.memory_space<vmem>>[vector<16xi32>], vector<16xf32>, vector<16xi1>
        %shift_right_logical3A_97 = arith.constant 2 : i32
        %shift_right_logical3A_98 = vector.broadcast %shift_right_logical3A_97 : i32 to vector<16xi32>
        %shift_right_logical3A_99 = arith.shrui %iota3A, %shift_right_logical3A_98 : vector<16xi32>
        %eq3A_100 = arith.constant 1 : i32
        %eq3A_101 = vector.broadcast %eq3A_100 : i32 to vector<16xi32>
        %eq3A_102 = arith.cmpi eq, %shift_right_logical3A_99, %eq3A_101 : vector<16xi32>
        tpu.vector_store_idx %arg21[%add3A_90], %select_n3A masked %eq3A_102 {add = true} : memref<40000xf32, #tpu.memory_space<vmem>>[vector<16xi32>], vector<16xf32>, vector<16xi1>
        %shift_right_logical3A_103 = arith.constant 2 : i32
        %shift_right_logical3A_104 = vector.broadcast %shift_right_logical3A_103 : i32 to vector<16xi32>
        %shift_right_logical3A_105 = arith.shrui %iota3A, %shift_right_logical3A_104 : vector<16xi32>
        %eq3A_106 = arith.constant 2 : i32
        %eq3A_107 = vector.broadcast %eq3A_106 : i32 to vector<16xi32>
        %eq3A_108 = arith.cmpi eq, %shift_right_logical3A_105, %eq3A_107 : vector<16xi32>
        tpu.vector_store_idx %arg21[%add3A_90], %select_n3A masked %eq3A_108 {add = true} : memref<40000xf32, #tpu.memory_space<vmem>>[vector<16xi32>], vector<16xf32>, vector<16xi1>
        %shift_right_logical3A_109 = arith.constant 2 : i32
        %shift_right_logical3A_110 = vector.broadcast %shift_right_logical3A_109 : i32 to vector<16xi32>
        %shift_right_logical3A_111 = arith.shrui %iota3A, %shift_right_logical3A_110 : vector<16xi32>
        %eq3A_112 = arith.constant 3 : i32
        %eq3A_113 = vector.broadcast %eq3A_112 : i32 to vector<16xi32>
        %eq3A_114 = arith.cmpi eq, %shift_right_logical3A_111, %eq3A_113 : vector<16xi32>
        tpu.vector_store_idx %arg21[%add3A_90], %select_n3A masked %eq3A_114 {add = true} : memref<40000xf32, #tpu.memory_space<vmem>>[vector<16xi32>], vector<16xf32>, vector<16xi1>
      }
      %scan3A_65 = arith.constant 32 : i32
    }
    %scan3A_32 = arith.constant 78 : i32
    %add3A_33 = arith.constant 9984 : i32
    %add3A_34 = arith.addi %add3A_26, %add3A_33 : i32
    "tpu.region"() ({
      %run_scoped3A = tpu.sem_alloc : memref<!tpu.dma_semaphore, #tpu.memory_space<semaphore_mem>>
      %dma_start3A = arith.constant 0 : i32
      %dma_start3A_54 = tpu.memref_slice %arg18[%dma_start3A] : memref<128xi32, #tpu.memory_space<vmem>> -> memref<16xi32, #tpu.memory_space<vmem>>
      %dma_start3A_55 = tpu.memref_slice %arg5[%add3A_34] : memref<320000xi32, #tpu.memory_space<hbm>> -> memref<16xi32, #tpu.memory_space<hbm>>
      %dma_start3A_56 = arith.constant 0 : i32
      %dma_start3A_57 = tpu.memref_slice %arg18[%dma_start3A_56] : memref<128xi32, #tpu.memory_space<vmem>> -> memref<16xi32, #tpu.memory_space<vmem>>
      %dma_start3A_58 = tpu.memref_slice %arg5[%add3A_34] : memref<320000xi32, #tpu.memory_space<hbm>> -> memref<16xi32, #tpu.memory_space<hbm>>
      tpu.enqueue_dma source(%dma_start3A_58 : memref<16xi32, #tpu.memory_space<hbm>>) target(%dma_start3A_57 : memref<16xi32, #tpu.memory_space<vmem>>) target_semaphore(%run_scoped3A : memref<!tpu.dma_semaphore, #tpu.memory_space<semaphore_mem>>)
      %dma_wait3A = arith.constant 0 : i32
      %dma_wait3A_59 = tpu.memref_slice %arg18[%dma_wait3A] : memref<128xi32, #tpu.memory_space<vmem>> -> memref<16xi32, #tpu.memory_space<vmem>>
      %dma_wait3A_60 = tpu.memref_slice %arg5[%add3A_34] : memref<320000xi32, #tpu.memory_space<hbm>> -> memref<16xi32, #tpu.memory_space<hbm>>
      %dma_wait3A_61 = arith.constant 0 : i32
      %dma_wait3A_62 = tpu.memref_slice %arg18[%dma_wait3A_61] : memref<128xi32, #tpu.memory_space<vmem>> -> memref<16xi32, #tpu.memory_space<vmem>>
      %dma_wait3A_63 = tpu.memref_slice %arg5[%add3A_34] : memref<320000xi32, #tpu.memory_space<hbm>> -> memref<16xi32, #tpu.memory_space<hbm>>
      tpu.wait_dma2 semaphore(%run_scoped3A : memref<!tpu.dma_semaphore, #tpu.memory_space<semaphore_mem>>) src(%dma_wait3A_63 : memref<16xi32, #tpu.memory_space<hbm>>) dst(%dma_wait3A_62 : memref<16xi32, #tpu.memory_space<vmem>>)
      tpu.yield
    }) : () -> ()
    "tpu.region"() ({
      %run_scoped3A = tpu.sem_alloc : memref<!tpu.dma_semaphore, #tpu.memory_space<semaphore_mem>>
      %dma_start3A = arith.constant 0 : i32
      %dma_start3A_54 = tpu.memref_slice %arg19[%dma_start3A] : memref<128xf32, #tpu.memory_space<vmem>> -> memref<16xf32, #tpu.memory_space<vmem>>
      %dma_start3A_55 = tpu.memref_slice %arg6[%add3A_34] : memref<320000xf32, #tpu.memory_space<hbm>> -> memref<16xf32, #tpu.memory_space<hbm>>
      %dma_start3A_56 = arith.constant 0 : i32
      %dma_start3A_57 = tpu.memref_slice %arg19[%dma_start3A_56] : memref<128xf32, #tpu.memory_space<vmem>> -> memref<16xf32, #tpu.memory_space<vmem>>
      %dma_start3A_58 = tpu.memref_slice %arg6[%add3A_34] : memref<320000xf32, #tpu.memory_space<hbm>> -> memref<16xf32, #tpu.memory_space<hbm>>
      tpu.enqueue_dma source(%dma_start3A_58 : memref<16xf32, #tpu.memory_space<hbm>>) target(%dma_start3A_57 : memref<16xf32, #tpu.memory_space<vmem>>) target_semaphore(%run_scoped3A : memref<!tpu.dma_semaphore, #tpu.memory_space<semaphore_mem>>)
      %dma_wait3A = arith.constant 0 : i32
      %dma_wait3A_59 = tpu.memref_slice %arg19[%dma_wait3A] : memref<128xf32, #tpu.memory_space<vmem>> -> memref<16xf32, #tpu.memory_space<vmem>>
      %dma_wait3A_60 = tpu.memref_slice %arg6[%add3A_34] : memref<320000xf32, #tpu.memory_space<hbm>> -> memref<16xf32, #tpu.memory_space<hbm>>
      %dma_wait3A_61 = arith.constant 0 : i32
      %dma_wait3A_62 = tpu.memref_slice %arg19[%dma_wait3A_61] : memref<128xf32, #tpu.memory_space<vmem>> -> memref<16xf32, #tpu.memory_space<vmem>>
      %dma_wait3A_63 = tpu.memref_slice %arg6[%add3A_34] : memref<320000xf32, #tpu.memory_space<hbm>> -> memref<16xf32, #tpu.memory_space<hbm>>
      tpu.wait_dma2 semaphore(%run_scoped3A : memref<!tpu.dma_semaphore, #tpu.memory_space<semaphore_mem>>) src(%dma_wait3A_63 : memref<16xf32, #tpu.memory_space<hbm>>) dst(%dma_wait3A_62 : memref<16xf32, #tpu.memory_space<vmem>>)
      tpu.yield
    }) : () -> ()
    %mul3A_35 = arith.constant 3 : i32
    %mul3A_36 = arith.muli %add3A_34, %mul3A_35 : i32
    "tpu.region"() ({
      %run_scoped3A = tpu.sem_alloc : memref<!tpu.dma_semaphore, #tpu.memory_space<semaphore_mem>>
      %dma_start3A = arith.constant 0 : i32
      %dma_start3A_54 = tpu.memref_slice %arg20[%dma_start3A] : memref<384xf32, #tpu.memory_space<vmem>> -> memref<48xf32, #tpu.memory_space<vmem>>
      %dma_start3A_55 = tpu.memref_slice %arg7[%mul3A_36] : memref<960000xf32, #tpu.memory_space<hbm>> -> memref<48xf32, #tpu.memory_space<hbm>>
      %dma_start3A_56 = arith.constant 0 : i32
      %dma_start3A_57 = tpu.memref_slice %arg20[%dma_start3A_56] : memref<384xf32, #tpu.memory_space<vmem>> -> memref<48xf32, #tpu.memory_space<vmem>>
      %dma_start3A_58 = tpu.memref_slice %arg7[%mul3A_36] : memref<960000xf32, #tpu.memory_space<hbm>> -> memref<48xf32, #tpu.memory_space<hbm>>
      tpu.enqueue_dma source(%dma_start3A_58 : memref<48xf32, #tpu.memory_space<hbm>>) target(%dma_start3A_57 : memref<48xf32, #tpu.memory_space<vmem>>) target_semaphore(%run_scoped3A : memref<!tpu.dma_semaphore, #tpu.memory_space<semaphore_mem>>)
      %dma_wait3A = arith.constant 0 : i32
      %dma_wait3A_59 = tpu.memref_slice %arg20[%dma_wait3A] : memref<384xf32, #tpu.memory_space<vmem>> -> memref<48xf32, #tpu.memory_space<vmem>>
      %dma_wait3A_60 = tpu.memref_slice %arg7[%mul3A_36] : memref<960000xf32, #tpu.memory_space<hbm>> -> memref<48xf32, #tpu.memory_space<hbm>>
      %dma_wait3A_61 = arith.constant 0 : i32
      %dma_wait3A_62 = tpu.memref_slice %arg20[%dma_wait3A_61] : memref<384xf32, #tpu.memory_space<vmem>> -> memref<48xf32, #tpu.memory_space<vmem>>
      %dma_wait3A_63 = tpu.memref_slice %arg7[%mul3A_36] : memref<960000xf32, #tpu.memory_space<hbm>> -> memref<48xf32, #tpu.memory_space<hbm>>
      tpu.wait_dma2 semaphore(%run_scoped3A : memref<!tpu.dma_semaphore, #tpu.memory_space<semaphore_mem>>) src(%dma_wait3A_63 : memref<48xf32, #tpu.memory_space<hbm>>) dst(%dma_wait3A_62 : memref<48xf32, #tpu.memory_space<vmem>>)
      tpu.yield
    }) : () -> ()
    %scan3A_37 = arith.constant 0 : i32
    %scan3A_38 = arith.constant 0 : i32
    %scan3A_39 = arith.constant 4 : i32
    %scan3A_40 = arith.addi %scan3A_38, %scan3A_39 : i32
    %scan3A_41 = arith.constant 1 : i32
    scf.for %scan3A_54 = %scan3A_38 to %scan3A_40 step %scan3A_41  : i32 {
      %mul3A_55 = arith.constant 16 : i32
      %mul3A_56 = arith.muli %scan3A_54, %mul3A_55 : i32
      %add3A_57 = vector.broadcast %mul3A_56 : i32 to vector<16xi32>
      %add3A_58 = arith.addi %iota3A, %add3A_57 : vector<16xi32>
      %shift_right_logical3A = arith.constant 2 : i32
      %shift_right_logical3A_59 = vector.broadcast %shift_right_logical3A : i32 to vector<16xi32>
      %shift_right_logical3A_60 = arith.shrui %add3A_58, %shift_right_logical3A_59 : vector<16xi32>
      %and3A = arith.constant 3 : i32
      %and3A_61 = vector.broadcast %and3A : i32 to vector<16xi32>
      %and3A_62 = arith.andi %add3A_58, %and3A_61 : vector<16xi32>
      %gather3A = tpu.vector_load_idx %arg19[%shift_right_logical3A_60] : memref<128xf32, #tpu.memory_space<vmem>>[vector<16xi32>], vector<16xf32>,
      %mul3A_63 = arith.constant 3 : i32
      %mul3A_64 = vector.broadcast %mul3A_63 : i32 to vector<16xi32>
      %mul3A_65 = arith.muli %shift_right_logical3A_60, %mul3A_64 : vector<16xi32>
      %add3A_66 = arith.addi %mul3A_65, %and3A_62 : vector<16xi32>
      %min3A = arith.constant 47 : i32
      %min3A_67 = vector.broadcast %min3A : i32 to vector<16xi32>
      %min3A_68 = arith.minsi %add3A_66, %min3A_67 : vector<16xi32>
      %gather3A_69 = tpu.vector_load_idx %arg20[%min3A_68] : memref<384xf32, #tpu.memory_space<vmem>>[vector<16xi32>], vector<16xf32>,
      %lt3A_70 = arith.constant 3 : i32
      %lt3A_71 = vector.broadcast %lt3A_70 : i32 to vector<16xi32>
      %lt3A_72 = arith.cmpi slt, %and3A_62, %lt3A_71 : vector<16xi32>
      %mul3A_73 = arith.mulf %gather3A_69, %gather3A : vector<16xf32>
      %jit3A = arith.constant 0.000000e+00 : f32
      %broadcast_in_dim3A = vector.broadcast %jit3A : f32 to vector<16xf32>
      %select_n3A = arith.select %lt3A_72, %mul3A_73, %broadcast_in_dim3A : vector<16xi1>, vector<16xf32>
      %gather3A_74 = tpu.vector_load_idx %arg18[%shift_right_logical3A_60] : memref<128xi32, #tpu.memory_space<vmem>>[vector<16xi32>], vector<16xi32>,
      %mul3A_75 = arith.constant 4 : i32
      %mul3A_76 = vector.broadcast %mul3A_75 : i32 to vector<16xi32>
      %mul3A_77 = arith.muli %gather3A_74, %mul3A_76 : vector<16xi32>
      %add3A_78 = arith.addi %mul3A_77, %and3A_62 : vector<16xi32>
      %shift_right_logical3A_79 = arith.constant 2 : i32
      %shift_right_logical3A_80 = vector.broadcast %shift_right_logical3A_79 : i32 to vector<16xi32>
      %shift_right_logical3A_81 = arith.shrui %iota3A, %shift_right_logical3A_80 : vector<16xi32>
      %eq3A_82 = arith.constant 0 : i32
      %eq3A_83 = vector.broadcast %eq3A_82 : i32 to vector<16xi32>
      %eq3A_84 = arith.cmpi eq, %shift_right_logical3A_81, %eq3A_83 : vector<16xi32>
      tpu.vector_store_idx %arg21[%add3A_78], %select_n3A masked %eq3A_84 {add = true} : memref<40000xf32, #tpu.memory_space<vmem>>[vector<16xi32>], vector<16xf32>, vector<16xi1>
      %shift_right_logical3A_85 = arith.constant 2 : i32
      %shift_right_logical3A_86 = vector.broadcast %shift_right_logical3A_85 : i32 to vector<16xi32>
      %shift_right_logical3A_87 = arith.shrui %iota3A, %shift_right_logical3A_86 : vector<16xi32>
      %eq3A_88 = arith.constant 1 : i32
      %eq3A_89 = vector.broadcast %eq3A_88 : i32 to vector<16xi32>
      %eq3A_90 = arith.cmpi eq, %shift_right_logical3A_87, %eq3A_89 : vector<16xi32>
      tpu.vector_store_idx %arg21[%add3A_78], %select_n3A masked %eq3A_90 {add = true} : memref<40000xf32, #tpu.memory_space<vmem>>[vector<16xi32>], vector<16xf32>, vector<16xi1>
      %shift_right_logical3A_91 = arith.constant 2 : i32
      %shift_right_logical3A_92 = vector.broadcast %shift_right_logical3A_91 : i32 to vector<16xi32>
      %shift_right_logical3A_93 = arith.shrui %iota3A, %shift_right_logical3A_92 : vector<16xi32>
      %eq3A_94 = arith.constant 2 : i32
      %eq3A_95 = vector.broadcast %eq3A_94 : i32 to vector<16xi32>
      %eq3A_96 = arith.cmpi eq, %shift_right_logical3A_93, %eq3A_95 : vector<16xi32>
      tpu.vector_store_idx %arg21[%add3A_78], %select_n3A masked %eq3A_96 {add = true} : memref<40000xf32, #tpu.memory_space<vmem>>[vector<16xi32>], vector<16xf32>, vector<16xi1>
      %shift_right_logical3A_97 = arith.constant 2 : i32
      %shift_right_logical3A_98 = vector.broadcast %shift_right_logical3A_97 : i32 to vector<16xi32>
      %shift_right_logical3A_99 = arith.shrui %iota3A, %shift_right_logical3A_98 : vector<16xi32>
      %eq3A_100 = arith.constant 3 : i32
      %eq3A_101 = vector.broadcast %eq3A_100 : i32 to vector<16xi32>
      %eq3A_102 = arith.cmpi eq, %shift_right_logical3A_99, %eq3A_101 : vector<16xi32>
      tpu.vector_store_idx %arg21[%add3A_78], %select_n3A masked %eq3A_102 {add = true} : memref<40000xf32, #tpu.memory_space<vmem>>[vector<16xi32>], vector<16xf32>, vector<16xi1>
    }
    %scan3A_42 = arith.constant 4 : i32
    %barrier3A_43 = arith.constant 0 : index
    tpu.barrier barrier_id(%barrier3A_43)
    %lt3A_44 = arith.constant 15 : i32
    %lt3A_45 = arith.cmpi slt, %arg1, %lt3A_44 : i32
    %convert_element_type3A_46 = arith.extui %lt3A_45 : i1 to i32
    %cond3A_47 = arith.constant 0 : i32
    %cond3A_48 = arith.cmpi ne, %convert_element_type3A_46, %cond3A_47 : i32
    scf.if %cond3A_48 {
      %mul3A_54 = arith.constant 320 : i32
      %mul3A_55 = arith.muli %arg1, %mul3A_54 : i32
      %mul3A_56 = arith.constant 320 : i32
      %mul3A_57 = arith.muli %arg1, %mul3A_56 : i32
      "tpu.region"() ({
        %run_scoped3A = tpu.sem_alloc : memref<!tpu.dma_semaphore, #tpu.memory_space<semaphore_mem>>
        %dma_start3A = arith.constant 0 : i32
        %dma_start3A_58 = tpu.memref_slice %arg10[%arg0, %mul3A_57, %dma_start3A] : memref<2x5008x128xf32, #tpu.memory_space<hbm>> -> memref<1x320x128xf32, #tpu.memory_space<hbm>>
        %dma_start3A_59 = tpu.memref_squeeze %dma_start3A_58 : memref<1x320x128xf32, #tpu.memory_space<hbm>> -> memref<320x128xf32, #tpu.memory_space<hbm>>
        %dma_start3A_60 = arith.constant 0 : i32
        %dma_start3A_61 = tpu.memref_slice %arg22[%mul3A_55, %dma_start3A_60] : memref<5008x128xf32, #tpu.memory_space<vmem_shared>> -> memref<320x128xf32, #tpu.memory_space<vmem_shared>>
        tpu.enqueue_dma source(%dma_start3A_61 : memref<320x128xf32, #tpu.memory_space<vmem_shared>>) target(%dma_start3A_59 : memref<320x128xf32, #tpu.memory_space<hbm>>) target_semaphore(%run_scoped3A : memref<!tpu.dma_semaphore, #tpu.memory_space<semaphore_mem>>)
        %dma_wait3A = arith.constant 0 : i32
        %dma_wait3A_62 = tpu.memref_slice %arg10[%arg0, %mul3A_57, %dma_wait3A] : memref<2x5008x128xf32, #tpu.memory_space<hbm>> -> memref<1x320x128xf32, #tpu.memory_space<hbm>>
        %dma_wait3A_63 = tpu.memref_squeeze %dma_wait3A_62 : memref<1x320x128xf32, #tpu.memory_space<hbm>> -> memref<320x128xf32, #tpu.memory_space<hbm>>
        %dma_wait3A_64 = arith.constant 0 : i32
        %dma_wait3A_65 = tpu.memref_slice %arg22[%mul3A_55, %dma_wait3A_64] : memref<5008x128xf32, #tpu.memory_space<vmem_shared>> -> memref<320x128xf32, #tpu.memory_space<vmem_shared>>
        tpu.wait_dma2 semaphore(%run_scoped3A : memref<!tpu.dma_semaphore, #tpu.memory_space<semaphore_mem>>) src(%dma_wait3A_65 : memref<320x128xf32, #tpu.memory_space<vmem_shared>>) dst(%dma_wait3A_63 : memref<320x128xf32, #tpu.memory_space<hbm>>)
        tpu.yield
      }) : () -> ()
    } else {
    }
    %eq3A_49 = arith.constant 15 : i32
    %eq3A_50 = arith.cmpi eq, %arg1, %eq3A_49 : i32
    %convert_element_type3A_51 = arith.extui %eq3A_50 : i1 to i32
    %cond3A_52 = arith.constant 0 : i32
    %cond3A_53 = arith.cmpi ne, %convert_element_type3A_51, %cond3A_52 : i32
    scf.if %cond3A_53 {
      "tpu.region"() ({
        %run_scoped3A = tpu.sem_alloc : memref<!tpu.dma_semaphore, #tpu.memory_space<semaphore_mem>>
        %dma_start3A = arith.constant 4800 : i32
        %dma_start3A_54 = arith.constant 0 : i32
        %dma_start3A_55 = tpu.memref_slice %arg10[%arg0, %dma_start3A, %dma_start3A_54] : memref<2x5008x128xf32, #tpu.memory_space<hbm>> -> memref<1x208x128xf32, #tpu.memory_space<hbm>>
        %dma_start3A_56 = tpu.memref_squeeze %dma_start3A_55 : memref<1x208x128xf32, #tpu.memory_space<hbm>> -> memref<208x128xf32, #tpu.memory_space<hbm>>
        %dma_start3A_57 = arith.constant 4800 : i32
        %dma_start3A_58 = arith.constant 0 : i32
        %dma_start3A_59 = tpu.memref_slice %arg22[%dma_start3A_57, %dma_start3A_58] : memref<5008x128xf32, #tpu.memory_space<vmem_shared>> -> memref<208x128xf32, #tpu.memory_space<vmem_shared>>
        tpu.enqueue_dma source(%dma_start3A_59 : memref<208x128xf32, #tpu.memory_space<vmem_shared>>) target(%dma_start3A_56 : memref<208x128xf32, #tpu.memory_space<hbm>>) target_semaphore(%run_scoped3A : memref<!tpu.dma_semaphore, #tpu.memory_space<semaphore_mem>>)
        %dma_wait3A = arith.constant 4800 : i32
        %dma_wait3A_60 = arith.constant 0 : i32
        %dma_wait3A_61 = tpu.memref_slice %arg10[%arg0, %dma_wait3A, %dma_wait3A_60] : memref<2x5008x128xf32, #tpu.memory_space<hbm>> -> memref<1x208x128xf32, #tpu.memory_space<hbm>>
        %dma_wait3A_62 = tpu.memref_squeeze %dma_wait3A_61 : memref<1x208x128xf32, #tpu.memory_space<hbm>> -> memref<208x128xf32, #tpu.memory_space<hbm>>
        %dma_wait3A_63 = arith.constant 4800 : i32
        %dma_wait3A_64 = arith.constant 0 : i32
        %dma_wait3A_65 = tpu.memref_slice %arg22[%dma_wait3A_63, %dma_wait3A_64] : memref<5008x128xf32, #tpu.memory_space<vmem_shared>> -> memref<208x128xf32, #tpu.memory_space<vmem_shared>>
        tpu.wait_dma2 semaphore(%run_scoped3A : memref<!tpu.dma_semaphore, #tpu.memory_space<semaphore_mem>>) src(%dma_wait3A_65 : memref<208x128xf32, #tpu.memory_space<vmem_shared>>) dst(%dma_wait3A_62 : memref<208x128xf32, #tpu.memory_space<hbm>>)
        tpu.yield
      }) : () -> ()
    } else {
    }
    "tpu.region"() ({
      %run_scoped3A = tpu.sem_alloc : memref<!tpu.dma_semaphore, #tpu.memory_space<semaphore_mem>>
      %dma_start3A = arith.constant 0 : i32
      %dma_start3A_54 = tpu.memref_slice %arg11[%add3A, %dma_start3A] : memref<32x40000xf32, #tpu.memory_space<hbm>> -> memref<1x40000xf32, #tpu.memory_space<hbm>>
      %dma_start3A_55 = tpu.memref_squeeze %dma_start3A_54 : memref<1x40000xf32, #tpu.memory_space<hbm>> -> memref<40000xf32, #tpu.memory_space<hbm>>
      %dma_start3A_56 = arith.constant 0 : i32
      %dma_start3A_57 = tpu.memref_slice %arg11[%add3A, %dma_start3A_56] : memref<32x40000xf32, #tpu.memory_space<hbm>> -> memref<1x40000xf32, #tpu.memory_space<hbm>>
      %dma_start3A_58 = tpu.memref_squeeze %dma_start3A_57 : memref<1x40000xf32, #tpu.memory_space<hbm>> -> memref<40000xf32, #tpu.memory_space<hbm>>
      tpu.enqueue_dma source(%arg21 : memref<40000xf32, #tpu.memory_space<vmem>>) target(%dma_start3A_58 : memref<40000xf32, #tpu.memory_space<hbm>>) target_semaphore(%run_scoped3A : memref<!tpu.dma_semaphore, #tpu.memory_space<semaphore_mem>>)
      %dma_wait3A = arith.constant 0 : i32
      %dma_wait3A_59 = tpu.memref_slice %arg11[%add3A, %dma_wait3A] : memref<32x40000xf32, #tpu.memory_space<hbm>> -> memref<1x40000xf32, #tpu.memory_space<hbm>>
      %dma_wait3A_60 = tpu.memref_squeeze %dma_wait3A_59 : memref<1x40000xf32, #tpu.memory_space<hbm>> -> memref<40000xf32, #tpu.memory_space<hbm>>
      %dma_wait3A_61 = arith.constant 0 : i32
      %dma_wait3A_62 = tpu.memref_slice %arg11[%add3A, %dma_wait3A_61] : memref<32x40000xf32, #tpu.memory_space<hbm>> -> memref<1x40000xf32, #tpu.memory_space<hbm>>
      %dma_wait3A_63 = tpu.memref_squeeze %dma_wait3A_62 : memref<1x40000xf32, #tpu.memory_space<hbm>> -> memref<40000xf32, #tpu.memory_space<hbm>>
      tpu.wait_dma2 semaphore(%run_scoped3A : memref<!tpu.dma_semaphore, #tpu.memory_space<semaphore_mem>>) src(%arg21 : memref<40000xf32, #tpu.memory_space<vmem>>) dst(%dma_wait3A_63 : memref<40000xf32, #tpu.memory_space<hbm>>)
      tpu.yield
    }) : () -> ()
    return
  }
}

#map = affine_map<(d0, d1) -> (0, 0)>
#map1 = affine_map<(d0, d1) -> (0, 0, 0)>
module attributes {stable_mosaic.version = 14 : i64} {
  func.func @gather_k(%arg0: i32, %arg1: i32, %arg2: memref<10000x128xf32, #tpu.memory_space<hbm>>, %arg3: memref<32x78x128xi32, #tpu.memory_space<hbm>>, %arg4: memref<32x16xi32, #tpu.memory_space<hbm>>, %arg5: memref<32x78x128xi32, #tpu.memory_space<hbm>>, %arg6: memref<32x16xi32, #tpu.memory_space<hbm>>, %arg7: memref<320000x128xf32, #tpu.memory_space<hbm>>, %arg8: memref<320000x128xf32, #tpu.memory_space<hbm>>, %arg9: memref<128xi32, #tpu.memory_space<vmem>>, %arg10: memref<128xi32, #tpu.memory_space<vmem>>, %arg11: memref<16xi32, #tpu.memory_space<vmem>>, %arg12: memref<16xi32, #tpu.memory_space<vmem>>, %arg13: memref<128x128xf32, #tpu.memory_space<vmem>>, %arg14: memref<128x128xf32, #tpu.memory_space<vmem>>, %arg15: memref<16x128xf32, #tpu.memory_space<vmem>>, %arg16: memref<!tpu.dma_semaphore, #tpu.memory_space<semaphore_mem>>, %arg17: memref<!tpu.dma_semaphore, #tpu.memory_space<semaphore_mem>>) attributes {dimension_semantics = [#tpu.dimension_semantics<core_parallel>, #tpu.dimension_semantics<subcore_parallel>], iteration_bounds = array<i64: 2, 16>, scalar_prefetch = 0 : i64, scratch_operands = 9 : i64, tpu.core_type = #tpu.core_type<sc_vector_subcore>, window_params = [{transform_indices = #map}, {transform_indices = #map1}, {transform_indices = #map}, {transform_indices = #map1}, {transform_indices = #map}, {transform_indices = #map}, {transform_indices = #map}]} {
    %mul3A = arith.constant 2 : i32
    %mul3A_0 = arith.muli %arg1, %mul3A : i32
    %add3A = arith.addi %mul3A_0, %arg0 : i32
    %mul3A_1 = arith.constant 10000 : i32
    %mul3A_2 = arith.muli %add3A, %mul3A_1 : i32
    "tpu.region"() ({
      %run_scoped3A = tpu.sem_alloc : memref<!tpu.dma_semaphore, #tpu.memory_space<semaphore_mem>>
      %dma_start3A_20 = arith.constant 0 : i32
      %dma_start3A_21 = tpu.memref_slice %arg4[%add3A, %dma_start3A_20] : memref<32x16xi32, #tpu.memory_space<hbm>> -> memref<1x16xi32, #tpu.memory_space<hbm>>
      %dma_start3A_22 = tpu.memref_squeeze %dma_start3A_21 : memref<1x16xi32, #tpu.memory_space<hbm>> -> memref<16xi32, #tpu.memory_space<hbm>>
      %dma_start3A_23 = arith.constant 0 : i32
      %dma_start3A_24 = tpu.memref_slice %arg4[%add3A, %dma_start3A_23] : memref<32x16xi32, #tpu.memory_space<hbm>> -> memref<1x16xi32, #tpu.memory_space<hbm>>
      %dma_start3A_25 = tpu.memref_squeeze %dma_start3A_24 : memref<1x16xi32, #tpu.memory_space<hbm>> -> memref<16xi32, #tpu.memory_space<hbm>>
      tpu.enqueue_dma source(%dma_start3A_25 : memref<16xi32, #tpu.memory_space<hbm>>) target(%arg11 : memref<16xi32, #tpu.memory_space<vmem>>) target_semaphore(%run_scoped3A : memref<!tpu.dma_semaphore, #tpu.memory_space<semaphore_mem>>)
      %dma_wait3A_26 = arith.constant 0 : i32
      %dma_wait3A_27 = tpu.memref_slice %arg4[%add3A, %dma_wait3A_26] : memref<32x16xi32, #tpu.memory_space<hbm>> -> memref<1x16xi32, #tpu.memory_space<hbm>>
      %dma_wait3A_28 = tpu.memref_squeeze %dma_wait3A_27 : memref<1x16xi32, #tpu.memory_space<hbm>> -> memref<16xi32, #tpu.memory_space<hbm>>
      %dma_wait3A_29 = arith.constant 0 : i32
      %dma_wait3A_30 = tpu.memref_slice %arg4[%add3A, %dma_wait3A_29] : memref<32x16xi32, #tpu.memory_space<hbm>> -> memref<1x16xi32, #tpu.memory_space<hbm>>
      %dma_wait3A_31 = tpu.memref_squeeze %dma_wait3A_30 : memref<1x16xi32, #tpu.memory_space<hbm>> -> memref<16xi32, #tpu.memory_space<hbm>>
      tpu.wait_dma2 semaphore(%run_scoped3A : memref<!tpu.dma_semaphore, #tpu.memory_space<semaphore_mem>>) src(%dma_wait3A_31 : memref<16xi32, #tpu.memory_space<hbm>>) dst(%arg11 : memref<16xi32, #tpu.memory_space<vmem>>)
      tpu.yield
    }) : () -> ()
    "tpu.region"() ({
      %run_scoped3A = tpu.sem_alloc : memref<!tpu.dma_semaphore, #tpu.memory_space<semaphore_mem>>
      %dma_start3A_20 = arith.constant 0 : i32
      %dma_start3A_21 = tpu.memref_slice %arg6[%add3A, %dma_start3A_20] : memref<32x16xi32, #tpu.memory_space<hbm>> -> memref<1x16xi32, #tpu.memory_space<hbm>>
      %dma_start3A_22 = tpu.memref_squeeze %dma_start3A_21 : memref<1x16xi32, #tpu.memory_space<hbm>> -> memref<16xi32, #tpu.memory_space<hbm>>
      %dma_start3A_23 = arith.constant 0 : i32
      %dma_start3A_24 = tpu.memref_slice %arg6[%add3A, %dma_start3A_23] : memref<32x16xi32, #tpu.memory_space<hbm>> -> memref<1x16xi32, #tpu.memory_space<hbm>>
      %dma_start3A_25 = tpu.memref_squeeze %dma_start3A_24 : memref<1x16xi32, #tpu.memory_space<hbm>> -> memref<16xi32, #tpu.memory_space<hbm>>
      tpu.enqueue_dma source(%dma_start3A_25 : memref<16xi32, #tpu.memory_space<hbm>>) target(%arg12 : memref<16xi32, #tpu.memory_space<vmem>>) target_semaphore(%run_scoped3A : memref<!tpu.dma_semaphore, #tpu.memory_space<semaphore_mem>>)
      %dma_wait3A_26 = arith.constant 0 : i32
      %dma_wait3A_27 = tpu.memref_slice %arg6[%add3A, %dma_wait3A_26] : memref<32x16xi32, #tpu.memory_space<hbm>> -> memref<1x16xi32, #tpu.memory_space<hbm>>
      %dma_wait3A_28 = tpu.memref_squeeze %dma_wait3A_27 : memref<1x16xi32, #tpu.memory_space<hbm>> -> memref<16xi32, #tpu.memory_space<hbm>>
      %dma_wait3A_29 = arith.constant 0 : i32
      %dma_wait3A_30 = tpu.memref_slice %arg6[%add3A, %dma_wait3A_29] : memref<32x16xi32, #tpu.memory_space<hbm>> -> memref<1x16xi32, #tpu.memory_space<hbm>>
      %dma_wait3A_31 = tpu.memref_squeeze %dma_wait3A_30 : memref<1x16xi32, #tpu.memory_space<hbm>> -> memref<16xi32, #tpu.memory_space<hbm>>
      tpu.wait_dma2 semaphore(%run_scoped3A : memref<!tpu.dma_semaphore, #tpu.memory_space<semaphore_mem>>) src(%dma_wait3A_31 : memref<16xi32, #tpu.memory_space<hbm>>) dst(%arg12 : memref<16xi32, #tpu.memory_space<vmem>>)
      tpu.yield
    }) : () -> ()
    %scan3A = arith.constant 0 : i32
    %scan3A_3 = arith.constant 0 : i32
    %scan3A_4 = arith.constant 78 : i32
    %scan3A_5 = arith.addi %scan3A_3, %scan3A_4 : i32
    %scan3A_6 = arith.constant 1 : i32
    scf.for %scan3A_20 = %scan3A_3 to %scan3A_5 step %scan3A_6  : i32 {
      %mul3A_21 = arith.constant 128 : i32
      %mul3A_22 = arith.muli %scan3A_20, %mul3A_21 : i32
      %add3A_23 = arith.addi %mul3A_2, %mul3A_22 : i32
      "tpu.region"() ({
        %run_scoped3A = tpu.sem_alloc : memref<!tpu.dma_semaphore, #tpu.memory_space<semaphore_mem>>
        %dma_start3A_36 = arith.constant 0 : i32
        %dma_start3A_37 = tpu.memref_slice %arg3[%add3A, %scan3A_20, %dma_start3A_36] : memref<32x78x128xi32, #tpu.memory_space<hbm>> -> memref<1x1x128xi32, #tpu.memory_space<hbm>>
        %dma_start3A_38 = tpu.memref_squeeze %dma_start3A_37 : memref<1x1x128xi32, #tpu.memory_space<hbm>> -> memref<128xi32, #tpu.memory_space<hbm>>
        %dma_start3A_39 = arith.constant 0 : i32
        %dma_start3A_40 = tpu.memref_slice %arg3[%add3A, %scan3A_20, %dma_start3A_39] : memref<32x78x128xi32, #tpu.memory_space<hbm>> -> memref<1x1x128xi32, #tpu.memory_space<hbm>>
        %dma_start3A_41 = tpu.memref_squeeze %dma_start3A_40 : memref<1x1x128xi32, #tpu.memory_space<hbm>> -> memref<128xi32, #tpu.memory_space<hbm>>
        tpu.enqueue_dma source(%dma_start3A_41 : memref<128xi32, #tpu.memory_space<hbm>>) target(%arg9 : memref<128xi32, #tpu.memory_space<vmem>>) target_semaphore(%run_scoped3A : memref<!tpu.dma_semaphore, #tpu.memory_space<semaphore_mem>>)
        %dma_wait3A_42 = arith.constant 0 : i32
        %dma_wait3A_43 = tpu.memref_slice %arg3[%add3A, %scan3A_20, %dma_wait3A_42] : memref<32x78x128xi32, #tpu.memory_space<hbm>> -> memref<1x1x128xi32, #tpu.memory_space<hbm>>
        %dma_wait3A_44 = tpu.memref_squeeze %dma_wait3A_43 : memref<1x1x128xi32, #tpu.memory_space<hbm>> -> memref<128xi32, #tpu.memory_space<hbm>>
        %dma_wait3A_45 = arith.constant 0 : i32
        %dma_wait3A_46 = tpu.memref_slice %arg3[%add3A, %scan3A_20, %dma_wait3A_45] : memref<32x78x128xi32, #tpu.memory_space<hbm>> -> memref<1x1x128xi32, #tpu.memory_space<hbm>>
        %dma_wait3A_47 = tpu.memref_squeeze %dma_wait3A_46 : memref<1x1x128xi32, #tpu.memory_space<hbm>> -> memref<128xi32, #tpu.memory_space<hbm>>
        tpu.wait_dma2 semaphore(%run_scoped3A : memref<!tpu.dma_semaphore, #tpu.memory_space<semaphore_mem>>) src(%dma_wait3A_47 : memref<128xi32, #tpu.memory_space<hbm>>) dst(%arg9 : memref<128xi32, #tpu.memory_space<vmem>>)
        tpu.yield
      }) : () -> ()
      "tpu.region"() ({
        %run_scoped3A = tpu.sem_alloc : memref<!tpu.dma_semaphore, #tpu.memory_space<semaphore_mem>>
        %dma_start3A_36 = arith.constant 0 : i32
        %dma_start3A_37 = tpu.memref_slice %arg5[%add3A, %scan3A_20, %dma_start3A_36] : memref<32x78x128xi32, #tpu.memory_space<hbm>> -> memref<1x1x128xi32, #tpu.memory_space<hbm>>
        %dma_start3A_38 = tpu.memref_squeeze %dma_start3A_37 : memref<1x1x128xi32, #tpu.memory_space<hbm>> -> memref<128xi32, #tpu.memory_space<hbm>>
        %dma_start3A_39 = arith.constant 0 : i32
        %dma_start3A_40 = tpu.memref_slice %arg5[%add3A, %scan3A_20, %dma_start3A_39] : memref<32x78x128xi32, #tpu.memory_space<hbm>> -> memref<1x1x128xi32, #tpu.memory_space<hbm>>
        %dma_start3A_41 = tpu.memref_squeeze %dma_start3A_40 : memref<1x1x128xi32, #tpu.memory_space<hbm>> -> memref<128xi32, #tpu.memory_space<hbm>>
        tpu.enqueue_dma source(%dma_start3A_41 : memref<128xi32, #tpu.memory_space<hbm>>) target(%arg10 : memref<128xi32, #tpu.memory_space<vmem>>) target_semaphore(%run_scoped3A : memref<!tpu.dma_semaphore, #tpu.memory_space<semaphore_mem>>)
        %dma_wait3A_42 = arith.constant 0 : i32
        %dma_wait3A_43 = tpu.memref_slice %arg5[%add3A, %scan3A_20, %dma_wait3A_42] : memref<32x78x128xi32, #tpu.memory_space<hbm>> -> memref<1x1x128xi32, #tpu.memory_space<hbm>>
        %dma_wait3A_44 = tpu.memref_squeeze %dma_wait3A_43 : memref<1x1x128xi32, #tpu.memory_space<hbm>> -> memref<128xi32, #tpu.memory_space<hbm>>
        %dma_wait3A_45 = arith.constant 0 : i32
        %dma_wait3A_46 = tpu.memref_slice %arg5[%add3A, %scan3A_20, %dma_wait3A_45] : memref<32x78x128xi32, #tpu.memory_space<hbm>> -> memref<1x1x128xi32, #tpu.memory_space<hbm>>
        %dma_wait3A_47 = tpu.memref_squeeze %dma_wait3A_46 : memref<1x1x128xi32, #tpu.memory_space<hbm>> -> memref<128xi32, #tpu.memory_space<hbm>>
        tpu.wait_dma2 semaphore(%run_scoped3A : memref<!tpu.dma_semaphore, #tpu.memory_space<semaphore_mem>>) src(%dma_wait3A_47 : memref<128xi32, #tpu.memory_space<hbm>>) dst(%arg10 : memref<128xi32, #tpu.memory_space<vmem>>)
        tpu.yield
      }) : () -> ()
      %dma_start3A_24 = arith.constant 0 : i32
      %dma_start3A_25 = arith.constant 0 : i32
      %dma_start3A_26 = tpu.memref_slice %arg2[%dma_start3A_24, %dma_start3A_25] : memref<10000x128xf32, #tpu.memory_space<hbm>> -> memref<10000x128xf32, #tpu.memory_space<hbm>>
      tpu.enqueue_indirect_dma source(%dma_start3A_26 : memref<10000x128xf32, #tpu.memory_space<hbm>>) target(%arg13 : memref<128x128xf32, #tpu.memory_space<vmem>>) offsets(%arg9 : memref<128xi32, #tpu.memory_space<vmem>>) semaphore(%arg16 : memref<!tpu.dma_semaphore, #tpu.memory_space<semaphore_mem>>)
      %dma_start3A_27 = arith.constant 0 : i32
      %dma_start3A_28 = arith.constant 0 : i32
      %dma_start3A_29 = tpu.memref_slice %arg2[%dma_start3A_27, %dma_start3A_28] : memref<10000x128xf32, #tpu.memory_space<hbm>> -> memref<10000x128xf32, #tpu.memory_space<hbm>>
      tpu.enqueue_indirect_dma source(%dma_start3A_29 : memref<10000x128xf32, #tpu.memory_space<hbm>>) target(%arg14 : memref<128x128xf32, #tpu.memory_space<vmem>>) offsets(%arg10 : memref<128xi32, #tpu.memory_space<vmem>>) semaphore(%arg17 : memref<!tpu.dma_semaphore, #tpu.memory_space<semaphore_mem>>)
      %dma_wait3A_30 = arith.constant 0 : i32
      %dma_wait3A_31 = arith.constant 0 : i32
      %dma_wait3A_32 = tpu.memref_slice %arg2[%dma_wait3A_30, %dma_wait3A_31] : memref<10000x128xf32, #tpu.memory_space<hbm>> -> memref<10000x128xf32, #tpu.memory_space<hbm>>
      tpu.wait_indirect_dma semaphore(%arg16 : memref<!tpu.dma_semaphore, #tpu.memory_space<semaphore_mem>>) src(%dma_wait3A_32 : memref<10000x128xf32, #tpu.memory_space<hbm>>) dst(%arg13 : memref<128x128xf32, #tpu.memory_space<vmem>>)
      "tpu.region"() ({
        %run_scoped3A = tpu.sem_alloc : memref<!tpu.dma_semaphore, #tpu.memory_space<semaphore_mem>>
        %dma_start3A_36 = arith.constant 0 : i32
        %dma_start3A_37 = tpu.memref_slice %arg7[%add3A_23, %dma_start3A_36] : memref<320000x128xf32, #tpu.memory_space<hbm>> -> memref<128x128xf32, #tpu.memory_space<hbm>>
        %dma_start3A_38 = arith.constant 0 : i32
        %dma_start3A_39 = tpu.memref_slice %arg7[%add3A_23, %dma_start3A_38] : memref<320000x128xf32, #tpu.memory_space<hbm>> -> memref<128x128xf32, #tpu.memory_space<hbm>>
        tpu.enqueue_dma source(%arg13 : memref<128x128xf32, #tpu.memory_space<vmem>>) target(%dma_start3A_39 : memref<128x128xf32, #tpu.memory_space<hbm>>) target_semaphore(%run_scoped3A : memref<!tpu.dma_semaphore, #tpu.memory_space<semaphore_mem>>)
        %dma_wait3A_40 = arith.constant 0 : i32
        %dma_wait3A_41 = tpu.memref_slice %arg7[%add3A_23, %dma_wait3A_40] : memref<320000x128xf32, #tpu.memory_space<hbm>> -> memref<128x128xf32, #tpu.memory_space<hbm>>
        %dma_wait3A_42 = arith.constant 0 : i32
        %dma_wait3A_43 = tpu.memref_slice %arg7[%add3A_23, %dma_wait3A_42] : memref<320000x128xf32, #tpu.memory_space<hbm>> -> memref<128x128xf32, #tpu.memory_space<hbm>>
        tpu.wait_dma2 semaphore(%run_scoped3A : memref<!tpu.dma_semaphore, #tpu.memory_space<semaphore_mem>>) src(%arg13 : memref<128x128xf32, #tpu.memory_space<vmem>>) dst(%dma_wait3A_43 : memref<128x128xf32, #tpu.memory_space<hbm>>)
        tpu.yield
      }) : () -> ()
      %dma_wait3A_33 = arith.constant 0 : i32
      %dma_wait3A_34 = arith.constant 0 : i32
      %dma_wait3A_35 = tpu.memref_slice %arg2[%dma_wait3A_33, %dma_wait3A_34] : memref<10000x128xf32, #tpu.memory_space<hbm>> -> memref<10000x128xf32, #tpu.memory_space<hbm>>
      tpu.wait_indirect_dma semaphore(%arg17 : memref<!tpu.dma_semaphore, #tpu.memory_space<semaphore_mem>>) src(%dma_wait3A_35 : memref<10000x128xf32, #tpu.memory_space<hbm>>) dst(%arg14 : memref<128x128xf32, #tpu.memory_space<vmem>>)
      "tpu.region"() ({
        %run_scoped3A = tpu.sem_alloc : memref<!tpu.dma_semaphore, #tpu.memory_space<semaphore_mem>>
        %dma_start3A_36 = arith.constant 0 : i32
        %dma_start3A_37 = tpu.memref_slice %arg8[%add3A_23, %dma_start3A_36] : memref<320000x128xf32, #tpu.memory_space<hbm>> -> memref<128x128xf32, #tpu.memory_space<hbm>>
        %dma_start3A_38 = arith.constant 0 : i32
        %dma_start3A_39 = tpu.memref_slice %arg8[%add3A_23, %dma_start3A_38] : memref<320000x128xf32, #tpu.memory_space<hbm>> -> memref<128x128xf32, #tpu.memory_space<hbm>>
        tpu.enqueue_dma source(%arg14 : memref<128x128xf32, #tpu.memory_space<vmem>>) target(%dma_start3A_39 : memref<128x128xf32, #tpu.memory_space<hbm>>) target_semaphore(%run_scoped3A : memref<!tpu.dma_semaphore, #tpu.memory_space<semaphore_mem>>)
        %dma_wait3A_40 = arith.constant 0 : i32
        %dma_wait3A_41 = tpu.memref_slice %arg8[%add3A_23, %dma_wait3A_40] : memref<320000x128xf32, #tpu.memory_space<hbm>> -> memref<128x128xf32, #tpu.memory_space<hbm>>
        %dma_wait3A_42 = arith.constant 0 : i32
        %dma_wait3A_43 = tpu.memref_slice %arg8[%add3A_23, %dma_wait3A_42] : memref<320000x128xf32, #tpu.memory_space<hbm>> -> memref<128x128xf32, #tpu.memory_space<hbm>>
        tpu.wait_dma2 semaphore(%run_scoped3A : memref<!tpu.dma_semaphore, #tpu.memory_space<semaphore_mem>>) src(%arg14 : memref<128x128xf32, #tpu.memory_space<vmem>>) dst(%dma_wait3A_43 : memref<128x128xf32, #tpu.memory_space<hbm>>)
        tpu.yield
      }) : () -> ()
    }
    %scan3A_7 = arith.constant 78 : i32
    %add3A_8 = arith.constant 9984 : i32
    %add3A_9 = arith.addi %mul3A_2, %add3A_8 : i32
    %dma_start3A = arith.constant 0 : i32
    %dma_start3A_10 = arith.constant 0 : i32
    %dma_start3A_11 = tpu.memref_slice %arg2[%dma_start3A, %dma_start3A_10] : memref<10000x128xf32, #tpu.memory_space<hbm>> -> memref<10000x128xf32, #tpu.memory_space<hbm>>
    tpu.enqueue_indirect_dma source(%dma_start3A_11 : memref<10000x128xf32, #tpu.memory_space<hbm>>) target(%arg15 : memref<16x128xf32, #tpu.memory_space<vmem>>) offsets(%arg11 : memref<16xi32, #tpu.memory_space<vmem>>) semaphore(%arg16 : memref<!tpu.dma_semaphore, #tpu.memory_space<semaphore_mem>>)
    %dma_wait3A = arith.constant 0 : i32
    %dma_wait3A_12 = arith.constant 0 : i32
    %dma_wait3A_13 = tpu.memref_slice %arg2[%dma_wait3A, %dma_wait3A_12] : memref<10000x128xf32, #tpu.memory_space<hbm>> -> memref<10000x128xf32, #tpu.memory_space<hbm>>
    tpu.wait_indirect_dma semaphore(%arg16 : memref<!tpu.dma_semaphore, #tpu.memory_space<semaphore_mem>>) src(%dma_wait3A_13 : memref<10000x128xf32, #tpu.memory_space<hbm>>) dst(%arg15 : memref<16x128xf32, #tpu.memory_space<vmem>>)
    "tpu.region"() ({
      %run_scoped3A = tpu.sem_alloc : memref<!tpu.dma_semaphore, #tpu.memory_space<semaphore_mem>>
      %dma_start3A_20 = arith.constant 0 : i32
      %dma_start3A_21 = tpu.memref_slice %arg7[%add3A_9, %dma_start3A_20] : memref<320000x128xf32, #tpu.memory_space<hbm>> -> memref<16x128xf32, #tpu.memory_space<hbm>>
      %dma_start3A_22 = arith.constant 0 : i32
      %dma_start3A_23 = tpu.memref_slice %arg7[%add3A_9, %dma_start3A_22] : memref<320000x128xf32, #tpu.memory_space<hbm>> -> memref<16x128xf32, #tpu.memory_space<hbm>>
      tpu.enqueue_dma source(%arg15 : memref<16x128xf32, #tpu.memory_space<vmem>>) target(%dma_start3A_23 : memref<16x128xf32, #tpu.memory_space<hbm>>) target_semaphore(%run_scoped3A : memref<!tpu.dma_semaphore, #tpu.memory_space<semaphore_mem>>)
      %dma_wait3A_24 = arith.constant 0 : i32
      %dma_wait3A_25 = tpu.memref_slice %arg7[%add3A_9, %dma_wait3A_24] : memref<320000x128xf32, #tpu.memory_space<hbm>> -> memref<16x128xf32, #tpu.memory_space<hbm>>
      %dma_wait3A_26 = arith.constant 0 : i32
      %dma_wait3A_27 = tpu.memref_slice %arg7[%add3A_9, %dma_wait3A_26] : memref<320000x128xf32, #tpu.memory_space<hbm>> -> memref<16x128xf32, #tpu.memory_space<hbm>>
      tpu.wait_dma2 semaphore(%run_scoped3A : memref<!tpu.dma_semaphore, #tpu.memory_space<semaphore_mem>>) src(%arg15 : memref<16x128xf32, #tpu.memory_space<vmem>>) dst(%dma_wait3A_27 : memref<16x128xf32, #tpu.memory_space<hbm>>)
      tpu.yield
    }) : () -> ()
    %dma_start3A_14 = arith.constant 0 : i32
    %dma_start3A_15 = arith.constant 0 : i32
    %dma_start3A_16 = tpu.memref_slice %arg2[%dma_start3A_14, %dma_start3A_15] : memref<10000x128xf32, #tpu.memory_space<hbm>> -> memref<10000x128xf32, #tpu.memory_space<hbm>>
    tpu.enqueue_indirect_dma source(%dma_start3A_16 : memref<10000x128xf32, #tpu.memory_space<hbm>>) target(%arg15 : memref<16x128xf32, #tpu.memory_space<vmem>>) offsets(%arg12 : memref<16xi32, #tpu.memory_space<vmem>>) semaphore(%arg16 : memref<!tpu.dma_semaphore, #tpu.memory_space<semaphore_mem>>)
    %dma_wait3A_17 = arith.constant 0 : i32
    %dma_wait3A_18 = arith.constant 0 : i32
    %dma_wait3A_19 = tpu.memref_slice %arg2[%dma_wait3A_17, %dma_wait3A_18] : memref<10000x128xf32, #tpu.memory_space<hbm>> -> memref<10000x128xf32, #tpu.memory_space<hbm>>
    tpu.wait_indirect_dma semaphore(%arg16 : memref<!tpu.dma_semaphore, #tpu.memory_space<semaphore_mem>>) src(%dma_wait3A_19 : memref<10000x128xf32, #tpu.memory_space<hbm>>) dst(%arg15 : memref<16x128xf32, #tpu.memory_space<vmem>>)
    "tpu.region"() ({
      %run_scoped3A = tpu.sem_alloc : memref<!tpu.dma_semaphore, #tpu.memory_space<semaphore_mem>>
      %dma_start3A_20 = arith.constant 0 : i32
      %dma_start3A_21 = tpu.memref_slice %arg8[%add3A_9, %dma_start3A_20] : memref<320000x128xf32, #tpu.memory_space<hbm>> -> memref<16x128xf32, #tpu.memory_space<hbm>>
      %dma_start3A_22 = arith.constant 0 : i32
      %dma_start3A_23 = tpu.memref_slice %arg8[%add3A_9, %dma_start3A_22] : memref<320000x128xf32, #tpu.memory_space<hbm>> -> memref<16x128xf32, #tpu.memory_space<hbm>>
      tpu.enqueue_dma source(%arg15 : memref<16x128xf32, #tpu.memory_space<vmem>>) target(%dma_start3A_23 : memref<16x128xf32, #tpu.memory_space<hbm>>) target_semaphore(%run_scoped3A : memref<!tpu.dma_semaphore, #tpu.memory_space<semaphore_mem>>)
      %dma_wait3A_24 = arith.constant 0 : i32
      %dma_wait3A_25 = tpu.memref_slice %arg8[%add3A_9, %dma_wait3A_24] : memref<320000x128xf32, #tpu.memory_space<hbm>> -> memref<16x128xf32, #tpu.memory_space<hbm>>
      %dma_wait3A_26 = arith.constant 0 : i32
      %dma_wait3A_27 = tpu.memref_slice %arg8[%add3A_9, %dma_wait3A_26] : memref<320000x128xf32, #tpu.memory_space<hbm>> -> memref<16x128xf32, #tpu.memory_space<hbm>>
      tpu.wait_dma2 semaphore(%run_scoped3A : memref<!tpu.dma_semaphore, #tpu.memory_space<semaphore_mem>>) src(%arg15 : memref<16x128xf32, #tpu.memory_space<vmem>>) dst(%dma_wait3A_27 : memref<16x128xf32, #tpu.memory_space<hbm>>)
      tpu.yield
    }) : () -> ()
    return
  }
}

module attributes {stable_mosaic.version = 14 : i64} {
  func.func @_edge_body(%arg0: i32, %arg1: memref<512x128xf32, #tpu.memory_space<vmem>>, %arg2: memref<512x128xf32, #tpu.memory_space<vmem>>, %arg3: memref<512x1xf32, #tpu.memory_space<vmem>>, %arg4: memref<512x16xf32, #tpu.memory_space<vmem>>, %arg5: memref<128x128xf32, #tpu.memory_space<vmem>>, %arg6: memref<128x128xf32, #tpu.memory_space<vmem>>, %arg7: memref<1x128xf32, #tpu.memory_space<vmem>>, %arg8: memref<16x128xf32, #tpu.memory_space<vmem>>, %arg9: memref<1x128xf32, #tpu.memory_space<vmem>>, %arg10: memref<128x128xf32, #tpu.memory_space<vmem>>, %arg11: memref<1x128xf32, #tpu.memory_space<vmem>>, %arg12: memref<128x128xf32, #tpu.memory_space<vmem>>, %arg13: memref<1x128xf32, #tpu.memory_space<vmem>>, %arg14: memref<1x128xf32, #tpu.memory_space<vmem>>, %arg15: memref<512x128xf32, #tpu.memory_space<vmem>>, %arg16: memref<512x1xf32, #tpu.memory_space<vmem>>) attributes {dimension_semantics = [#tpu.dimension_semantics<arbitrary>], iteration_bounds = array<i64: 625>, scalar_prefetch = 0 : i64, scratch_operands = 0 : i64, tpu.core_type = #tpu.core_type<tc>, window_params = [{transform_indices = @transform_0, window_bounds = array<i64: 512, 128>}, {transform_indices = @transform_1, window_bounds = array<i64: 512, 128>}, {transform_indices = @transform_2, window_bounds = array<i64: 512, 1>}, {transform_indices = @transform_3, window_bounds = array<i64: 512, 16>}, {pipeline_mode = #tpu.pipeline_mode<synchronous>, transform_indices = @transform_4, window_bounds = array<i64: 128, 128>}, {pipeline_mode = #tpu.pipeline_mode<synchronous>, transform_indices = @transform_5, window_bounds = array<i64: 128, 128>}, {pipeline_mode = #tpu.pipeline_mode<synchronous>, transform_indices = @transform_6, window_bounds = array<i64: 1, 128>}, {pipeline_mode = #tpu.pipeline_mode<synchronous>, transform_indices = @transform_7, window_bounds = array<i64: 16, 128>}, {pipeline_mode = #tpu.pipeline_mode<synchronous>, transform_indices = @transform_8, window_bounds = array<i64: 1, 128>}, {pipeline_mode = #tpu.pipeline_mode<synchronous>, transform_indices = @transform_9, window_bounds = array<i64: 128, 128>}, {pipeline_mode = #tpu.pipeline_mode<synchronous>, transform_indices = @transform_10, window_bounds = array<i64: 1, 128>}, {pipeline_mode = #tpu.pipeline_mode<synchronous>, transform_indices = @transform_11, window_bounds = array<i64: 128, 128>}, {pipeline_mode = #tpu.pipeline_mode<synchronous>, transform_indices = @transform_12, window_bounds = array<i64: 1, 128>}, {pipeline_mode = #tpu.pipeline_mode<synchronous>, transform_indices = @transform_13, window_bounds = array<i64: 1, 128>}, {transform_indices = @transform_14, window_bounds = array<i64: 512, 128>}, {transform_indices = @transform_15, window_bounds = array<i64: 512, 1>}]} {
    %get3A = arith.constant 0 : index
    %get3A_0 = arith.constant 0 : index
    %get3A_1 = vector.load %arg1[%get3A, %get3A_0] : memref<512x128xf32, #tpu.memory_space<vmem>>, vector<512x128xf32>
    %get3A_2 = arith.constant 0 : index
    %get3A_3 = arith.constant 0 : index
    %get3A_4 = vector.load %arg5[%get3A_2, %get3A_3] : memref<128x128xf32, #tpu.memory_space<vmem>>, vector<128x128xf32>
    %dot_general3A = arith.constant dense<0.000000e+00> : vector<512x128xf32>
    %dot_general3A_5 = tpu.matmul %get3A_1, %get3A_4, %dot_general3A {dimension_numbers = #tpu.dot_dimension_numbers<[1], [0], [0], [1], [0, 0, 1, 1], [], []>, transpose_lhs_hint = false} : vector<512x128xf32>, vector<128x128xf32>, vector<512x128xf32> -> vector<512x128xf32>
    %get3A_6 = arith.constant 0 : index
    %get3A_7 = arith.constant 0 : index
    %get3A_8 = vector.load %arg2[%get3A_6, %get3A_7] : memref<512x128xf32, #tpu.memory_space<vmem>>, vector<512x128xf32>
    %get3A_9 = arith.constant 0 : index
    %get3A_10 = arith.constant 0 : index
    %get3A_11 = vector.load %arg6[%get3A_9, %get3A_10] : memref<128x128xf32, #tpu.memory_space<vmem>>, vector<128x128xf32>
    %dot_general3A_12 = arith.constant dense<0.000000e+00> : vector<512x128xf32>
    %dot_general3A_13 = tpu.matmul %get3A_8, %get3A_11, %dot_general3A_12 {dimension_numbers = #tpu.dot_dimension_numbers<[1], [0], [0], [1], [0, 0, 1, 1], [], []>, transpose_lhs_hint = false} : vector<512x128xf32>, vector<128x128xf32>, vector<512x128xf32> -> vector<512x128xf32>
    %add3A = arith.addf %dot_general3A_5, %dot_general3A_13 : vector<512x128xf32>
    %get3A_14 = arith.constant 0 : index
    %get3A_15 = arith.constant 0 : index
    %get3A_16 = vector.load %arg4[%get3A_14, %get3A_15] : memref<512x16xf32, #tpu.memory_space<vmem>>, vector<512x16xf32>
    %get3A_17 = arith.constant 0 : index
    %get3A_18 = arith.constant 0 : index
    %get3A_19 = vector.load %arg8[%get3A_17, %get3A_18] : memref<16x128xf32, #tpu.memory_space<vmem>>, vector<16x128xf32>
    %dot_general3A_20 = arith.constant dense<0.000000e+00> : vector<512x128xf32>
    %dot_general3A_21 = tpu.matmul %get3A_16, %get3A_19, %dot_general3A_20 {dimension_numbers = #tpu.dot_dimension_numbers<[1], [0], [0], [1], [0, 0, 1, 1], [], []>, transpose_lhs_hint = false} : vector<512x16xf32>, vector<16x128xf32>, vector<512x128xf32> -> vector<512x128xf32>
    %add3A_22 = arith.addf %add3A, %dot_general3A_21 : vector<512x128xf32>
    %get3A_23 = arith.constant 0 : index
    %get3A_24 = arith.constant 0 : index
    %get3A_25 = vector.load %arg3[%get3A_23, %get3A_24] : memref<512x1xf32, #tpu.memory_space<vmem>>, vector<512x1xf32>
    %get3A_26 = arith.constant 0 : index
    %get3A_27 = arith.constant 0 : index
    %get3A_28 = vector.load %arg7[%get3A_26, %get3A_27] : memref<1x128xf32, #tpu.memory_space<vmem>>, vector<1x128xf32>
    %mul3A = vector.broadcast %get3A_25 : vector<512x1xf32> to vector<512x128xf32>
    %mul3A_29 = vector.broadcast %get3A_28 : vector<1x128xf32> to vector<512x128xf32>
    %mul3A_30 = arith.mulf %mul3A, %mul3A_29 : vector<512x128xf32>
    %add3A_31 = arith.addf %add3A_22, %mul3A_30 : vector<512x128xf32>
    %get3A_32 = arith.constant 0 : index
    %get3A_33 = arith.constant 0 : index
    %get3A_34 = vector.load %arg9[%get3A_32, %get3A_33] : memref<1x128xf32, #tpu.memory_space<vmem>>, vector<1x128xf32>
    %add3A_35 = vector.broadcast %get3A_34 : vector<1x128xf32> to vector<512x128xf32>
    %add3A_36 = arith.addf %add3A_31, %add3A_35 : vector<512x128xf32>
    %logistic3A = arith.negf %add3A_36 : vector<512x128xf32>
    %logistic3A_37 = math.exp %logistic3A : vector<512x128xf32>
    %logistic3A_38 = arith.constant 1.000000e+00 : f32
    %logistic3A_39 = vector.broadcast %logistic3A_38 : f32 to vector<512x128xf32>
    %logistic3A_40 = arith.addf %logistic3A_39, %logistic3A_37 : vector<512x128xf32>
    %logistic3A_41 = arith.divf %logistic3A_39, %logistic3A_40 : vector<512x128xf32>
    %mul3A_42 = arith.mulf %add3A_36, %logistic3A_41 : vector<512x128xf32>
    %get3A_43 = arith.constant 0 : index
    %get3A_44 = arith.constant 0 : index
    %get3A_45 = vector.load %arg10[%get3A_43, %get3A_44] : memref<128x128xf32, #tpu.memory_space<vmem>>, vector<128x128xf32>
    %dot_general3A_46 = arith.constant dense<0.000000e+00> : vector<512x128xf32>
    %dot_general3A_47 = tpu.matmul %mul3A_42, %get3A_45, %dot_general3A_46 {dimension_numbers = #tpu.dot_dimension_numbers<[1], [0], [0], [1], [0, 0, 1, 1], [], []>, transpose_lhs_hint = false} : vector<512x128xf32>, vector<128x128xf32>, vector<512x128xf32> -> vector<512x128xf32>
    %get3A_48 = arith.constant 0 : index
    %get3A_49 = arith.constant 0 : index
    %get3A_50 = vector.load %arg11[%get3A_48, %get3A_49] : memref<1x128xf32, #tpu.memory_space<vmem>>, vector<1x128xf32>
    %add3A_51 = vector.broadcast %get3A_50 : vector<1x128xf32> to vector<512x128xf32>
    %add3A_52 = arith.addf %dot_general3A_47, %add3A_51 : vector<512x128xf32>
    %logistic3A_53 = arith.negf %add3A_52 : vector<512x128xf32>
    %logistic3A_54 = math.exp %logistic3A_53 : vector<512x128xf32>
    %logistic3A_55 = arith.constant 1.000000e+00 : f32
    %logistic3A_56 = vector.broadcast %logistic3A_55 : f32 to vector<512x128xf32>
    %logistic3A_57 = arith.addf %logistic3A_56, %logistic3A_54 : vector<512x128xf32>
    %logistic3A_58 = arith.divf %logistic3A_56, %logistic3A_57 : vector<512x128xf32>
    %mul3A_59 = arith.mulf %add3A_52, %logistic3A_58 : vector<512x128xf32>
    %swap3A = arith.constant 0 : index
    %swap3A_60 = arith.constant 0 : index
    %swap3A_61 = vector.load %arg15[%swap3A, %swap3A_60] : memref<512x128xf32, #tpu.memory_space<vmem>>, vector<512x128xf32>
    tpu.vector_store %arg15[%swap3A, %swap3A_60], %mul3A_59 {strides = array<i32>} : memref<512x128xf32, #tpu.memory_space<vmem>>, vector<512x128xf32>,
    %get3A_62 = arith.constant 0 : index
    %get3A_63 = arith.constant 0 : index
    %get3A_64 = vector.load %arg12[%get3A_62, %get3A_63] : memref<128x128xf32, #tpu.memory_space<vmem>>, vector<128x128xf32>
    %dot_general3A_65 = arith.constant dense<0.000000e+00> : vector<512x128xf32>
    %dot_general3A_66 = tpu.matmul %mul3A_59, %get3A_64, %dot_general3A_65 {dimension_numbers = #tpu.dot_dimension_numbers<[1], [0], [0], [1], [0, 0, 1, 1], [], []>, transpose_lhs_hint = false} : vector<512x128xf32>, vector<128x128xf32>, vector<512x128xf32> -> vector<512x128xf32>
    %get3A_67 = arith.constant 0 : index
    %get3A_68 = arith.constant 0 : index
    %get3A_69 = vector.load %arg13[%get3A_67, %get3A_68] : memref<1x128xf32, #tpu.memory_space<vmem>>, vector<1x128xf32>
    %add3A_70 = vector.broadcast %get3A_69 : vector<1x128xf32> to vector<512x128xf32>
    %add3A_71 = arith.addf %dot_general3A_66, %add3A_70 : vector<512x128xf32>
    %logistic3A_72 = arith.negf %add3A_71 : vector<512x128xf32>
    %logistic3A_73 = math.exp %logistic3A_72 : vector<512x128xf32>
    %logistic3A_74 = arith.constant 1.000000e+00 : f32
    %logistic3A_75 = vector.broadcast %logistic3A_74 : f32 to vector<512x128xf32>
    %logistic3A_76 = arith.addf %logistic3A_75, %logistic3A_73 : vector<512x128xf32>
    %logistic3A_77 = arith.divf %logistic3A_75, %logistic3A_76 : vector<512x128xf32>
    %mul3A_78 = arith.mulf %add3A_71, %logistic3A_77 : vector<512x128xf32>
    %get3A_79 = arith.constant 0 : index
    %get3A_80 = arith.constant 0 : index
    %get3A_81 = vector.load %arg14[%get3A_79, %get3A_80] : memref<1x128xf32, #tpu.memory_space<vmem>>, vector<1x128xf32>
    %mul3A_82 = vector.broadcast %get3A_81 : vector<1x128xf32> to vector<512x128xf32>
    %mul3A_83 = arith.mulf %mul3A_78, %mul3A_82 : vector<512x128xf32>
    %reduce_sum3A = arith.constant dense<0.000000e+00> : vector<512xf32>
    %reduce_sum3A_84 = vector.multi_reduction <add>, %mul3A_83, %reduce_sum3A [1] : vector<512x128xf32> to vector<512xf32>
    %broadcast_in_dim3A = vector.shape_cast %reduce_sum3A_84 : vector<512xf32> to vector<512x1xf32>
    %swap3A_85 = arith.constant 0 : index
    %swap3A_86 = arith.constant 0 : index
    %swap3A_87 = vector.load %arg16[%swap3A_85, %swap3A_86] : memref<512x1xf32, #tpu.memory_space<vmem>>, vector<512x1xf32>
    tpu.vector_store %arg16[%swap3A_85, %swap3A_86], %broadcast_in_dim3A {strides = array<i32>} : memref<512x1xf32, #tpu.memory_space<vmem>>, vector<512x1xf32>,
    return
  }
  func.func @transform_0(%arg0: i32) -> (i32, i32) {
    %c0_i32 = arith.constant 0 : i32
    %c0_i32_0 = arith.constant 0 : i32
    return %arg0, %c0_i32 : i32, i32
  }
  func.func @transform_1(%arg0: i32) -> (i32, i32) {
    %c0_i32 = arith.constant 0 : i32
    %c0_i32_0 = arith.constant 0 : i32
    return %arg0, %c0_i32 : i32, i32
  }
  func.func @transform_2(%arg0: i32) -> (i32, i32) {
    %c0_i32 = arith.constant 0 : i32
    %c0_i32_0 = arith.constant 0 : i32
    return %arg0, %c0_i32 : i32, i32
  }
  func.func @transform_3(%arg0: i32) -> (i32, i32) {
    %c0_i32 = arith.constant 0 : i32
    %c0_i32_0 = arith.constant 0 : i32
    return %arg0, %c0_i32 : i32, i32
  }
  func.func @transform_4(%arg0: i32) -> (i32, i32) {
    %c0_i32 = arith.constant 0 : i32
    %c0_i32_0 = arith.constant 0 : i32
    %c0_i32_1 = arith.constant 0 : i32
    return %c0_i32, %c0_i32_0 : i32, i32
  }
  func.func @transform_5(%arg0: i32) -> (i32, i32) {
    %c0_i32 = arith.constant 0 : i32
    %c0_i32_0 = arith.constant 0 : i32
    %c0_i32_1 = arith.constant 0 : i32
    return %c0_i32, %c0_i32_0 : i32, i32
  }
  func.func @transform_6(%arg0: i32) -> (i32, i32) {
    %c0_i32 = arith.constant 0 : i32
    %c0_i32_0 = arith.constant 0 : i32
    %c0_i32_1 = arith.constant 0 : i32
    return %c0_i32, %c0_i32_0 : i32, i32
  }
  func.func @transform_7(%arg0: i32) -> (i32, i32) {
    %c0_i32 = arith.constant 0 : i32
    %c0_i32_0 = arith.constant 0 : i32
    %c0_i32_1 = arith.constant 0 : i32
    return %c0_i32, %c0_i32_0 : i32, i32
  }
  func.func @transform_8(%arg0: i32) -> (i32, i32) {
    %c0_i32 = arith.constant 0 : i32
    %c0_i32_0 = arith.constant 0 : i32
    %c0_i32_1 = arith.constant 0 : i32
    return %c0_i32, %c0_i32_0 : i32, i32
  }
  func.func @transform_9(%arg0: i32) -> (i32, i32) {
    %c0_i32 = arith.constant 0 : i32
    %c0_i32_0 = arith.constant 0 : i32
    %c0_i32_1 = arith.constant 0 : i32
    return %c0_i32, %c0_i32_0 : i32, i32
  }
  func.func @transform_10(%arg0: i32) -> (i32, i32) {
    %c0_i32 = arith.constant 0 : i32
    %c0_i32_0 = arith.constant 0 : i32
    %c0_i32_1 = arith.constant 0 : i32
    return %c0_i32, %c0_i32_0 : i32, i32
  }
  func.func @transform_11(%arg0: i32) -> (i32, i32) {
    %c0_i32 = arith.constant 0 : i32
    %c0_i32_0 = arith.constant 0 : i32
    %c0_i32_1 = arith.constant 0 : i32
    return %c0_i32, %c0_i32_0 : i32, i32
  }
  func.func @transform_12(%arg0: i32) -> (i32, i32) {
    %c0_i32 = arith.constant 0 : i32
    %c0_i32_0 = arith.constant 0 : i32
    %c0_i32_1 = arith.constant 0 : i32
    return %c0_i32, %c0_i32_0 : i32, i32
  }
  func.func @transform_13(%arg0: i32) -> (i32, i32) {
    %c0_i32 = arith.constant 0 : i32
    %c0_i32_0 = arith.constant 0 : i32
    %c0_i32_1 = arith.constant 0 : i32
    return %c0_i32, %c0_i32_0 : i32, i32
  }
  func.func @transform_14(%arg0: i32) -> (i32, i32) {
    %c0_i32 = arith.constant 0 : i32
    %c0_i32_0 = arith.constant 0 : i32
    return %arg0, %c0_i32 : i32, i32
  }
  func.func @transform_15(%arg0: i32) -> (i32, i32) {
    %c0_i32 = arith.constant 0 : i32
    %c0_i32_0 = arith.constant 0 : i32
    return %arg0, %c0_i32 : i32, i32
  }
}

module attributes {stable_mosaic.version = 14 : i64} {
  func.func @_coord_sum_body(%arg0: memref<32x40000xf32, #tpu.memory_space<vmem>>, %arg1: memref<1x40000xf32, #tpu.memory_space<vmem>>) attributes {dimension_semantics = [], scalar_prefetch = 0 : i64, scratch_operands = 0 : i64, tpu.core_type = #tpu.core_type<tc>} {
    %get3A = arith.constant 0 : index
    %get3A_0 = arith.constant 0 : index
    %get3A_1 = vector.load %arg0[%get3A, %get3A_0] : memref<32x40000xf32, #tpu.memory_space<vmem>>, vector<32x40000xf32>
    %reduce_sum3A = arith.constant dense<0.000000e+00> : vector<40000xf32>
    %reduce_sum3A_2 = vector.multi_reduction <add>, %get3A_1, %reduce_sum3A [0] : vector<32x40000xf32> to vector<40000xf32>
    %broadcast_in_dim3A = vector.shape_cast %reduce_sum3A_2 : vector<40000xf32> to vector<1x40000xf32>
    %swap3A = arith.constant 0 : index
    %swap3A_3 = arith.constant 0 : index
    %swap3A_4 = vector.load %arg1[%swap3A, %swap3A_3] : memref<1x40000xf32, #tpu.memory_space<vmem>>, vector<1x40000xf32>
    tpu.vector_store %arg1[%swap3A, %swap3A_3], %broadcast_in_dim3A {strides = array<i32>} : memref<1x40000xf32, #tpu.memory_space<vmem>>, vector<1x40000xf32>,
    return
  }
}

module attributes {stable_mosaic.version = 14 : i64} {
  func.func @_node_body(%arg0: i32, %arg1: memref<1000x128xf32, #tpu.memory_space<vmem>>, %arg2: memref<1x1000x128xf32, #tpu.memory_space<vmem>>, %arg3: memref<1000x16xf32, #tpu.memory_space<vmem>>, %arg4: memref<128x128xf32, #tpu.memory_space<vmem>>, %arg5: memref<128x128xf32, #tpu.memory_space<vmem>>, %arg6: memref<16x128xf32, #tpu.memory_space<vmem>>, %arg7: memref<1x128xf32, #tpu.memory_space<vmem>>, %arg8: memref<128x128xf32, #tpu.memory_space<vmem>>, %arg9: memref<1x128xf32, #tpu.memory_space<vmem>>, %arg10: memref<1000x128xf32, #tpu.memory_space<vmem>>) attributes {dimension_semantics = [#tpu.dimension_semantics<arbitrary>], iteration_bounds = array<i64: 10>, scalar_prefetch = 0 : i64, scratch_operands = 0 : i64, tpu.core_type = #tpu.core_type<tc>, window_params = [{transform_indices = @transform_0, window_bounds = array<i64: 1000, 128>}, {transform_indices = @transform_1, window_bounds = array<i64: 1, 1000, 128>}, {transform_indices = @transform_2, window_bounds = array<i64: 1000, 16>}, {pipeline_mode = #tpu.pipeline_mode<synchronous>, transform_indices = @transform_3, window_bounds = array<i64: 128, 128>}, {pipeline_mode = #tpu.pipeline_mode<synchronous>, transform_indices = @transform_4, window_bounds = array<i64: 128, 128>}, {pipeline_mode = #tpu.pipeline_mode<synchronous>, transform_indices = @transform_5, window_bounds = array<i64: 16, 128>}, {pipeline_mode = #tpu.pipeline_mode<synchronous>, transform_indices = @transform_6, window_bounds = array<i64: 1, 128>}, {pipeline_mode = #tpu.pipeline_mode<synchronous>, transform_indices = @transform_7, window_bounds = array<i64: 128, 128>}, {pipeline_mode = #tpu.pipeline_mode<synchronous>, transform_indices = @transform_8, window_bounds = array<i64: 1, 128>}, {transform_indices = @transform_9, window_bounds = array<i64: 1000, 128>}]} {
    %get3A = arith.constant 0 : index
    %get3A_0 = arith.constant 0 : index
    %get3A_1 = vector.load %arg1[%get3A, %get3A_0] : memref<1000x128xf32, #tpu.memory_space<vmem>>, vector<1000x128xf32>
    %get3A_2 = arith.constant 0 : index
    %get3A_3 = arith.constant 0 : index
    %get3A_4 = arith.constant 0 : index
    %get3A_5 = vector.load %arg2[%get3A_2, %get3A_3, %get3A_4] : memref<1x1000x128xf32, #tpu.memory_space<vmem>>, vector<1x1000x128xf32>
    %get3A_6 = vector.shape_cast %get3A_5 : vector<1x1000x128xf32> to vector<1000x128xf32>
    %get3A_7 = arith.constant 0 : index
    %get3A_8 = arith.constant 0 : index
    %get3A_9 = vector.load %arg4[%get3A_7, %get3A_8] : memref<128x128xf32, #tpu.memory_space<vmem>>, vector<128x128xf32>
    %dot_general3A = arith.constant dense<0.000000e+00> : vector<1000x128xf32>
    %dot_general3A_10 = tpu.matmul %get3A_1, %get3A_9, %dot_general3A {dimension_numbers = #tpu.dot_dimension_numbers<[1], [0], [0], [1], [0, 0, 1, 1], [], []>, transpose_lhs_hint = false} : vector<1000x128xf32>, vector<128x128xf32>, vector<1000x128xf32> -> vector<1000x128xf32>
    %get3A_11 = arith.constant 0 : index
    %get3A_12 = arith.constant 0 : index
    %get3A_13 = vector.load %arg5[%get3A_11, %get3A_12] : memref<128x128xf32, #tpu.memory_space<vmem>>, vector<128x128xf32>
    %dot_general3A_14 = arith.constant dense<0.000000e+00> : vector<1000x128xf32>
    %dot_general3A_15 = tpu.matmul %get3A_6, %get3A_13, %dot_general3A_14 {dimension_numbers = #tpu.dot_dimension_numbers<[1], [0], [0], [1], [0, 0, 1, 1], [], []>, transpose_lhs_hint = false} : vector<1000x128xf32>, vector<128x128xf32>, vector<1000x128xf32> -> vector<1000x128xf32>
    %add3A = arith.addf %dot_general3A_10, %dot_general3A_15 : vector<1000x128xf32>
    %get3A_16 = arith.constant 0 : index
    %get3A_17 = arith.constant 0 : index
    %get3A_18 = vector.load %arg3[%get3A_16, %get3A_17] : memref<1000x16xf32, #tpu.memory_space<vmem>>, vector<1000x16xf32>
    %get3A_19 = arith.constant 0 : index
    %get3A_20 = arith.constant 0 : index
    %get3A_21 = vector.load %arg6[%get3A_19, %get3A_20] : memref<16x128xf32, #tpu.memory_space<vmem>>, vector<16x128xf32>
    %dot_general3A_22 = arith.constant dense<0.000000e+00> : vector<1000x128xf32>
    %dot_general3A_23 = tpu.matmul %get3A_18, %get3A_21, %dot_general3A_22 {dimension_numbers = #tpu.dot_dimension_numbers<[1], [0], [0], [1], [0, 0, 1, 1], [], []>, transpose_lhs_hint = false} : vector<1000x16xf32>, vector<16x128xf32>, vector<1000x128xf32> -> vector<1000x128xf32>
    %add3A_24 = arith.addf %add3A, %dot_general3A_23 : vector<1000x128xf32>
    %get3A_25 = arith.constant 0 : index
    %get3A_26 = arith.constant 0 : index
    %get3A_27 = vector.load %arg7[%get3A_25, %get3A_26] : memref<1x128xf32, #tpu.memory_space<vmem>>, vector<1x128xf32>
    %add3A_28 = vector.broadcast %get3A_27 : vector<1x128xf32> to vector<1000x128xf32>
    %add3A_29 = arith.addf %add3A_24, %add3A_28 : vector<1000x128xf32>
    %logistic3A = arith.negf %add3A_29 : vector<1000x128xf32>
    %logistic3A_30 = math.exp %logistic3A : vector<1000x128xf32>
    %logistic3A_31 = arith.constant 1.000000e+00 : f32
    %logistic3A_32 = vector.broadcast %logistic3A_31 : f32 to vector<1000x128xf32>
    %logistic3A_33 = arith.addf %logistic3A_32, %logistic3A_30 : vector<1000x128xf32>
    %logistic3A_34 = arith.divf %logistic3A_32, %logistic3A_33 : vector<1000x128xf32>
    %mul3A = arith.mulf %add3A_29, %logistic3A_34 : vector<1000x128xf32>
    %get3A_35 = arith.constant 0 : index
    %get3A_36 = arith.constant 0 : index
    %get3A_37 = vector.load %arg8[%get3A_35, %get3A_36] : memref<128x128xf32, #tpu.memory_space<vmem>>, vector<128x128xf32>
    %dot_general3A_38 = arith.constant dense<0.000000e+00> : vector<1000x128xf32>
    %dot_general3A_39 = tpu.matmul %mul3A, %get3A_37, %dot_general3A_38 {dimension_numbers = #tpu.dot_dimension_numbers<[1], [0], [0], [1], [0, 0, 1, 1], [], []>, transpose_lhs_hint = false} : vector<1000x128xf32>, vector<128x128xf32>, vector<1000x128xf32> -> vector<1000x128xf32>
    %add3A_40 = arith.addf %get3A_1, %dot_general3A_39 : vector<1000x128xf32>
    %get3A_41 = arith.constant 0 : index
    %get3A_42 = arith.constant 0 : index
    %get3A_43 = vector.load %arg9[%get3A_41, %get3A_42] : memref<1x128xf32, #tpu.memory_space<vmem>>, vector<1x128xf32>
    %add3A_44 = vector.broadcast %get3A_43 : vector<1x128xf32> to vector<1000x128xf32>
    %add3A_45 = arith.addf %add3A_40, %add3A_44 : vector<1000x128xf32>
    %swap3A = arith.constant 0 : index
    %swap3A_46 = arith.constant 0 : index
    %swap3A_47 = vector.load %arg10[%swap3A, %swap3A_46] : memref<1000x128xf32, #tpu.memory_space<vmem>>, vector<1000x128xf32>
    tpu.vector_store %arg10[%swap3A, %swap3A_46], %add3A_45 {strides = array<i32>} : memref<1000x128xf32, #tpu.memory_space<vmem>>, vector<1000x128xf32>,
    return
  }
  func.func @transform_0(%arg0: i32) -> (i32, i32) {
    %c0_i32 = arith.constant 0 : i32
    %c0_i32_0 = arith.constant 0 : i32
    return %arg0, %c0_i32 : i32, i32
  }
  func.func @transform_1(%arg0: i32) -> (i32, i32, i32) {
    %jit3A = arith.constant 5 : i32
    %div3A = arith.divsi %arg0, %jit3A : i32
    %sign3A = arith.constant 0 : i32
    %sign3A_0 = arith.cmpi sgt, %arg0, %sign3A : i32
    %sign3A_1 = arith.extui %sign3A_0 : i1 to i32
    %sign3A_2 = arith.constant 0 : i32
    %sign3A_3 = arith.cmpi slt, %arg0, %sign3A_2 : i32
    %sign3A_4 = arith.extui %sign3A_3 : i1 to i32
    %sign3A_5 = arith.subi %sign3A_1, %sign3A_4 : i32
    %sign3A_6 = arith.constant 0 : i32
    %sign3A_7 = arith.cmpi sgt, %jit3A, %sign3A_6 : i32
    %sign3A_8 = arith.extui %sign3A_7 : i1 to i32
    %sign3A_9 = arith.constant 0 : i32
    %sign3A_10 = arith.cmpi slt, %jit3A, %sign3A_9 : i32
    %sign3A_11 = arith.extui %sign3A_10 : i1 to i32
    %sign3A_12 = arith.subi %sign3A_8, %sign3A_11 : i32
    %ne3A = arith.cmpi ne, %sign3A_5, %sign3A_12 : i32
    %rem3A = arith.remsi %arg0, %jit3A : i32
    %ne3A_13 = arith.constant 0 : i32
    %ne3A_14 = arith.cmpi ne, %rem3A, %ne3A_13 : i32
    %and3A = arith.andi %ne3A, %ne3A_14 : i1
    %sub3A = arith.constant 1 : i32
    %sub3A_15 = arith.subi %div3A, %sub3A : i32
    %select_n3A = arith.select %and3A, %sub3A_15, %div3A : i32
    %jit3A_16 = arith.constant 5 : i32
    %eq3A = arith.constant 0 : i32
    %eq3A_17 = arith.cmpi eq, %jit3A_16, %eq3A : i32
    %jit3A_18 = arith.constant 1 : i32
    %select_n3A_19 = arith.select %eq3A_17, %jit3A_18, %jit3A_16 : i32
    %rem3A_20 = arith.remsi %arg0, %select_n3A_19 : i32
    %ne3A_21 = arith.constant 0 : i32
    %ne3A_22 = arith.cmpi ne, %rem3A_20, %ne3A_21 : i32
    %lt3A = arith.constant 0 : i32
    %lt3A_23 = arith.cmpi slt, %rem3A_20, %lt3A : i32
    %lt3A_24 = arith.constant 0 : i32
    %lt3A_25 = arith.cmpi slt, %select_n3A_19, %lt3A_24 : i32
    %ne3A_26 = arith.xori %lt3A_23, %lt3A_25 : i1
    %and3A_27 = arith.andi %ne3A_26, %ne3A_22 : i1
    %add3A = arith.addi %rem3A_20, %select_n3A_19 : i32
    %select_n3A_28 = arith.select %and3A_27, %add3A, %rem3A_20 : i32
    %c0_i32 = arith.constant 0 : i32
    %c0_i32_29 = arith.constant 0 : i32
    return %select_n3A, %select_n3A_28, %c0_i32 : i32, i32, i32
  }
  func.func @transform_2(%arg0: i32) -> (i32, i32) {
    %c0_i32 = arith.constant 0 : i32
    %c0_i32_0 = arith.constant 0 : i32
    return %arg0, %c0_i32 : i32, i32
  }
  func.func @transform_3(%arg0: i32) -> (i32, i32) {
    %c0_i32 = arith.constant 0 : i32
    %c0_i32_0 = arith.constant 0 : i32
    %c0_i32_1 = arith.constant 0 : i32
    return %c0_i32, %c0_i32_0 : i32, i32
  }
  func.func @transform_4(%arg0: i32) -> (i32, i32) {
    %c0_i32 = arith.constant 0 : i32
    %c0_i32_0 = arith.constant 0 : i32
    %c0_i32_1 = arith.constant 0 : i32
    return %c0_i32, %c0_i32_0 : i32, i32
  }
  func.func @transform_5(%arg0: i32) -> (i32, i32) {
    %c0_i32 = arith.constant 0 : i32
    %c0_i32_0 = arith.constant 0 : i32
    %c0_i32_1 = arith.constant 0 : i32
    return %c0_i32, %c0_i32_0 : i32, i32
  }
  func.func @transform_6(%arg0: i32) -> (i32, i32) {
    %c0_i32 = arith.constant 0 : i32
    %c0_i32_0 = arith.constant 0 : i32
    %c0_i32_1 = arith.constant 0 : i32
    return %c0_i32, %c0_i32_0 : i32, i32
  }
  func.func @transform_7(%arg0: i32) -> (i32, i32) {
    %c0_i32 = arith.constant 0 : i32
    %c0_i32_0 = arith.constant 0 : i32
    %c0_i32_1 = arith.constant 0 : i32
    return %c0_i32, %c0_i32_0 : i32, i32
  }
  func.func @transform_8(%arg0: i32) -> (i32, i32) {
    %c0_i32 = arith.constant 0 : i32
    %c0_i32_0 = arith.constant 0 : i32
    %c0_i32_1 = arith.constant 0 : i32
    return %c0_i32, %c0_i32_0 : i32, i32
  }
  func.func @transform_9(%arg0: i32) -> (i32, i32) {
    %c0_i32 = arith.constant 0 : i32
    %c0_i32_0 = arith.constant 0 : i32
    return %arg0, %c0_i32 : i32, i32
  }
}

</mosaic_0001>

<sc_bundles>
// kernel: kernel.10.cloned.1.call-start
scs
__scs_entry_jumppad:
0x0: {  	(pc) =	sbr.rel $0x88, $3  }
0x1: {  	(tag) =	ssettag $0x0;
	lr =	simm.s32 $0x1  }
0x2: {  	[smem:$0x3F8F] =	sst lr;
	_ =	strace $0xD0000000  }
0x3: {  	_ = 	snop  }
0x4: {  	_ = 	snop  }
0x5: {  	_ = 	snop  }
0x6: {  	_ = 	snop  }
0x7: {  	_ = 	snop  }
__scs_overlays_trampoline_lowered:
0x8: {  	[smem:$0x3F9E] =	sst s0  }
0x9: {  	[smem:$0x3F9F] =	sst s1  }
0xa: {  	[smem:$0x3FA0] =	sst s2  }
0xb: {  	[smem:$0x3FA1] =	sst s3  }
0xc: {  	[smem:$0x3FA2] =	sst s4  }
0xd: {  	[smem:$0x3FA3] =	sst s5  }
0xe: {  	[smem:$0x3FA4] =	sst s6  }
0xf: {  	[smem:$0x3FA5] =	sst s7  }
0x10: {  	[smem:$0x3FA6] =	sst s8  }
0x11: {  	[smem:$0x3FA7] =	sst s9;
	s0 =	simm.s32 @!p0 $0x0  }
0x12: {  	s1 =	sld [smem:$0x3F8D];
	s0 =	simm.s32 @p0 $0x1  }
0x13: {  	[smem:$0x3FA8] =	sst s0;
	s0 =	simm.s32 @!p1 $0x0  }
0x14: {  	s2 =	sld [smem:$0x3F8C];
	s0 =	simm.s32 @p1 $0x1  }
0x15: {  	[smem:$0x3FA9] =	sst s0;
	s0 =	simm.s32 @!p2 $0x0  }
0x16: {  	s3 =	sld [smem:$0x3FDB];
	s0 =	simm.s32 @p2 $0x1  }
0x17: {  	s4 =	simm.s32 $0x1BF5;
	[smem:$0x3FAB] =	sst s0  }
0x18: {  	s0 =	sld [smem:$0x3F8E];
	_ =	swait.ge [sflag:s4], $0x0  }
0x19: {  	s7 =	sld [smem:$0x3F8F]  }
0x1a: {  	s8 =	sadd.s32 $0xFFFFE003, lr  }
0x1b: {  	s9 =	sadd.s32 $0xFFFFFEF7, lr;
	s5 =	simm.s32 $0xFFFFFFFF;
	p2 =	slt.u32 s8, $0xFFFFF086  }
0x1c: {  	p1 =	slt.u32 s9, $0xF7A;
	s5 =	simm.s32 @!p2 $0x0  }
0x1d: {  	s5 =	simm.s32 @p1 $0x1;
	p0 =	seq.s32 s7, s2  }
0x1e: {  	s7 =	smul.u32 @!p0 $0xF7A, s2;
	p2 =	seq.s32 @!p0 s5, $0x0  }
0x1f: {  	s9 =	smul.u32 $0xF7A, s1;
	s8 =	simm.s32 @!p0 $0x1BF5;
	p2 =	por !p2, p0  }
0x20: {  	[sflag:s8] =	ssyncset.s32 @!p0 $0xFFFFF086;
	s6 =	sadd.s32 @!p0 s3, s7;
	s7 =	simm.s32 @!p0 $0x108  }
0x21: {  	s3 =	sadd.s32 s3, s9;
	s6 =	sadd.s32 @!p0 $0x88, s6;
	s7 =	simm.s32 @p2 $0x1082  }
0x22: {  	[simem:s7], [sflag:s8] =	dma.local @!p0 [hbm:s6], $0xF7A  }
0x23: {  	s9 =	sor.u32 $0xD0000000, s2;
	s6 =	simm.s32 $0x108;
	_ =	swait.ge @!p0 [sflag:s8], $0x0  }
0x24: {  	s3 =	sadd.s32 $0x88, s3;
	s6 =	simm.s32 @!p1 $0x1082;
	[sflag:s4] =	ssyncset.s32 $0xFFFFF086  }
0x25: {  	[simem:s6], [sflag:s4] =	dma.local [hbm:s3], $0xF7A  }
0x26: {  	[smem:$0x3F8F] =	sst s1;
	(tag) =	ssettag s2;
	_ =	strace s9  }
0x27: {  	s1 =	sld [smem:$0x3F9F]  }
0x28: {  	s2 =	sld [smem:$0x3FA0]  }
0x29: {  	s4 =	sld [smem:$0x3FA2]  }
0x2a: {  	p0 =	seq.s32 s5, $0x0;
	s5 =	sld [smem:$0x3FA3]  }
0x2b: {  	s6 =	sld [smem:$0x3FA4]  }
0x2c: {  	s7 =	sld [smem:$0x3FA5]  }
0x2d: {  	s3 =	simm.s32 $0x108;
	s8 =	sld [smem:$0x3FA6]  }
0x2e: {  	s3 =	simm.s32 @!p0 $0x1082;
	s9 =	sld [smem:$0x3FA7]  }
0x2f: {  	lr =	sadd.s32 s0, s3;
	s0 =	sld [smem:$0x3F9E]  }
0x30: {  	s3 =	sld [smem:$0x3FA1]  }
0x31: {  	[smem:$0x3FAA] =	sst s10  }
0x32: {  	s10 =	sld [smem:$0x3FA8];
	_ =	sdelay $0x3  }
0x33: {  	p0 =	seq.s32 s10, $0x1;
	s10 =	sld [smem:$0x3FAA];
	_ =	sdelay $0x3  }
0x34: {  	[smem:$0x3FAA] =	sst s10  }
0x35: {  	s10 =	sld [smem:$0x3FA9];
	_ =	sdelay $0x3  }
0x36: {  	p1 =	seq.s32 s10, $0x1;
	s10 =	sld [smem:$0x3FAA];
	_ =	sdelay $0x3  }
0x37: {  	[smem:$0x3FAA] =	sst s10  }
0x38: {  	s10 =	sld [smem:$0x3FAB]  }
0x39: {  	_ = 	snop;
	(pc) =	sbr.ind lr, $3  }
0x3a: {  	_ = 	snop  }
0x3b: {  	_ = 	snop  }
0x3c: {  	p2 =	seq.s32 s10, $0x1;
	s10 =	sld [smem:$0x3FAA]  }
0x3d: {  	_ =	shalt  }
0x3e: {  	_ =	shalt  }
0x3f: {  	_ =	shalt  }
0x40: {  	_ =	shalt  }
0x41: {  	_ =	shalt  }
0x42: {  	_ =	shalt  }
0x43: {  	_ =	shalt  }
0x44: {  	_ =	shalt  }
0x45: {  	_ =	shalt  }
0x46: {  	_ =	shalt  }
0x47: {  	_ =	shalt  }
0x48: {  	_ =	shalt  }
0x49: {  	_ =	shalt  }
0x4a: {  	_ =	shalt  }
0x4b: {  	_ =	shalt  }
0x4c: {  	_ =	shalt  }
0x4d: {  	_ =	shalt  }
0x4e: {  	_ =	shalt  }
0x4f: {  	_ =	shalt  }
0x50: {  	_ =	shalt  }
0x51: {  	_ =	shalt  }
0x52: {  	_ =	shalt  }
0x53: {  	_ =	shalt  }
0x54: {  	_ =	shalt  }
0x55: {  	_ =	shalt  }
0x56: {  	_ =	shalt  }
0x57: {  	_ =	shalt  }
0x58: {  	_ =	shalt  }
0x59: {  	_ =	shalt  }
0x5a: {  	_ =	shalt  }
0x5b: {  	_ =	shalt  }
0x5c: {  	_ =	shalt  }
0x5d: {  	_ =	shalt  }
0x5e: {  	_ =	shalt  }
0x5f: {  	_ =	shalt  }
0x60: {  	_ =	shalt  }
0x61: {  	_ =	shalt  }
0x62: {  	_ =	shalt  }
0x63: {  	_ =	shalt  }
0x64: {  	_ =	shalt  }
0x65: {  	_ =	shalt  }
0x66: {  	_ =	shalt  }
0x67: {  	_ =	shalt  }
0x68: {  	_ =	shalt  }
0x69: {  	_ =	shalt  }
0x6a: {  	_ =	shalt  }
0x6b: {  	_ =	shalt  }
0x6c: {  	_ =	shalt  }
0x6d: {  	_ =	shalt  }
0x6e: {  	_ =	shalt  }
0x6f: {  	_ =	shalt  }
0x70: {  	_ =	shalt  }
0x71: {  	_ =	shalt  }
0x72: {  	_ =	shalt  }
0x73: {  	_ =	shalt  }
0x74: {  	_ =	shalt  }
0x75: {  	_ =	shalt  }
0x76: {  	_ =	shalt  }
0x77: {  	_ =	shalt  }
0x78: {  	_ =	shalt  }
0x79: {  	_ =	shalt  }
0x7a: {  	_ =	shalt  }
0x7b: {  	_ =	shalt  }
0x7c: {  	_ =	shalt  }
0x7d: {  	_ =	shalt  }
0x7e: {  	_ =	shalt  }
0x7f: {  	_ =	shalt  }
0x80: {  	_ =	shalt  }
0x81: {  	_ =	shalt  }
0x82: {  	_ =	shalt  }
0x83: {  	_ =	shalt  }
0x84: {  	_ =	shalt  }
0x85: {  	_ =	shalt  }
0x86: {  	_ =	shalt  }
0x87: {  	_ =	shalt  }
.Lfunc_end0:
.L_simem_size_0:
called_computation.1_lowered:
.L_overlay_start_0:
0x88: {  	s2 =	sld [smem:$0x3FD9]  }
0x89: {  	s3 =	sld [smem:$0x3FFE];
	_ =	sdelay $0x1  }
0x8a: {  	s1 =	srdreg.scid  }
0x8b: {  	s0 =	sand.u32 $0x1, s1  }
0x8c: {  	s14 =	sshll.u32 s0, $0xA;
	s2 =	sadd.s32 s3, s2  }
0x8d: {  	s2 =	sadd.s32 s2, s14  }
0x8e: {  	[smem:$0x3FB6] =	sst s2  }
0x8f: {  	_ = 	snop  }
0x90: {  	s2 =	sld [smem:$0x3FD0];
	_ =	sdelay $0x2  }
0x91: {  	s4 =	simm.s32 $0xA;
	s5 =	simm.s32 $0x10;
	s15 =	sld [smem:$0x3FC6]  }
0x92: {  	[smem:s5], [sflag:s4] =	dma.local [hbm:s2], $0x1  }
0x93: {  	_ =	swait.eq [sflag:s4], $0x1  }
0x94: {  	[sflag:s4] =	ssyncset.done $0x0  }
0x95: {  	[sflag:s4] =	ssyncadd.s32 $0xFFFFFFFF  }
0x96: {  	s16 =	sld [smem:$0x10];
	(tm) =	ssettm $0x1  }
0x97: {  	s17 =	sld [smem:$0x3FFB];
	_ =	sdelay $0x3  }
0x98: {  	_ =	strace s17  }
0x99: {  	s4 =	sld [smem:$0x3FFC];
	_ =	sdelay $0x3  }
0x9a: {  	_ =	strace s4  }
0x9b: {  	s4 =	sld [smem:$0x3FFD];
	_ =	sdelay $0x3  }
0x9c: {  	_ =	strace s4  }
0x9d: {  	_ =	strace $0x8FFFFFFF  }
0x9e: {  	s18 =	sld [smem:$0x3FDB];
	_ =	sdelay $0x1  }
0x9f: {  	s19 =	simm.s32 $_scs_section_size  }
0xa0: {  	s6 =	simm.s32 $_size__tile_overlayer_lowered;
	s7 =	simm.s32 $_tile_overlayer_lowered  }
0xa1: {  	s22 =	simm.s32 $0x1BFF;
	s21 =	sshll.u32 s7, $0x1;
	s4 =	sadd.s32 s19, s18  }
0xa2: {  	s8 =	simm.s32 $0x0;
	s20 =	sshll.u32 s6, $0x1;
	s6 =	sadd.s32 s21, s4  }
0xa3: {  	[timem:s8], [sflag:s22] =	dma.local [hbm:s6], s20  }
0xa4: {  	_ =	swait.ge [sflag:s22], s20  }
0xa5: {  	s5 =	ssub.s32 $0x0, s20;
	[sflag:s22] =	ssyncset.done $0x0  }
0xa6: {  	[sflag:s22] =	ssyncadd.s32 s5;
	_ =	sdelay $0x1  }
0xa7: {  	s23 =	simm.s32 $0x1B8B  }
0xa8: {  	_ =	swait.ge [sflag:s23], $0x1  }
0xa9: {  	[sflag:s23] =	ssyncset.done $0x0  }
0xaa: {  	s25 =	simm.s32 $0x1B8E;
	s24 =	sld [smem:$0x3FFE];
	[sflag:s23] =	ssyncadd.s32 $0xFFFFFFFF  }
0xab: {  	s26 =	simm.s32 $execute0_lowered;
	[smem:$0x3FD2] =	sst s25  }
0xac: {  	s6 =	sshll.u32 s26, $0x1;
	_ =	strace $0x80000049;
	[dreg:$0x1] =	wrdreg $0xFFFFFFFF  }
0xad: {  	s28 =	simm.s32 $_size_execute0_lowered;
	s4 =	sadd.s32 s4, s6;
	[dreg:$0x0] =	wrdreg $0x0  }
0xae: {  	s6 =	sshll.u32 s28, $0x1;
	[dreg:$0x2] =	wrdreg s4  }
0xaf: {  	[dreg:$0x3] =	wrdreg s6  }
0xb0: {  	[dreg:$0x4] =	wrdreg $0xC0  }
0xb1: {  	_ =	task [dreg:s8], $0x5FFFF  }
0xb2: {  	[dreg:$0x1] =	wrdreg $0xFFFFFFFF  }
0xb3: {  	[dreg:$0x0] =	wrdreg $0x60  }
0xb4: {  	[dreg:$0x2] =	wrdreg s24  }
0xb5: {  	[dreg:$0x3] =	wrdreg s15  }
0xb6: {  	[dreg:$0x4] =	wrdreg s16  }
0xb7: {  	[dreg:$0x5] =	wrdreg $0xF1000  }
0xb8: {  	[dreg:$0x6] =	wrdreg $0x9  }
0xb9: {  	_ =	task.clear_ibuf [dreg:s8], $0x7FFFF;
	_ =	strace $0x90000049  }
0xba: {  	s29 =	simm.s32 $0x9;
	_ =	strace $0x8000004B  }
0xbb: {  	_ =	swait.ge [sflag:s29], $0x1  }
0xbc: {  	[sflag:s29] =	ssyncadd.s32 $0xFFFFFFFF  }
0xbd: {  	_ =	strace $0x9000004B  }
0xbe: {  	_ =	sfence  }
0xbf: {  	s30 =	sld [smem:$0x0];
	_ =	sdelay $0x2  }
0xc0: {  	s31 =	sshll.u32 s1, $0xD;
	s1 =	sshrl.u32 s1, $0x2  }
0xc1: {  	s3 =	sand.u32 $0x4000, s31;
	s1 =	sadd.s32 s1, s30  }
0xc2: {  	s0 =	sor.u32 s3, s0;
	s1 =	sshll.u32 s1, $0x11  }
0xc3: {  	s0 =	sor.u32 s1, s0  }
0xc4: {  	s0 =	sadd.s32 $0x8F2B, s0  }
0xc5: {  	[sflag:s0] =	ssyncadd.remote.s32 $0x1  }
0xc6: {  	_ =	sfence.sel $0xFFFF  }
0xc7: {  	[dreg:$0x0] =	wrdreg $0xFFFFFFFF;
	(pc) =	sbr.abs _section_cstart, $3  }
0xc8: {  	[dreg:$0x1] =	wrdreg $0xFFFFFFFF  }
0xc9: {  	_ =	task.clear_ibuf [dreg:s8], $0x2FFFF;
	_ =	strace $0x9FFFFFFF  }
0xca: {  	(tm) =	ssettm $0x7FFFFFFF  }
0xcb: {  	_ =	shalt  }
tec
execute0_lowered:
.L_overlay_start_1:
0x0: {  	(tag) =	ssettag $0x1  }
0x1: {  	s0 =	rddreg [dreg:$0x0]  }
0x2: {  	s1 =	rddreg [dreg:$0x1]  }
0x3: {  	s2 =	rddreg [dreg:$0x2]  }
0x4: {  	s3 =	rddreg [dreg:$0x3]  }
0x5: {  	s5 =	simm.s32 $0x0;
	s19 =	stileid.u32;
	s9 =	srdreg.scid  }
0x6: {  	s28 =	simm.s32 $0x200;
	s29 =	simm.s32 $0x80;
	s31 =	simm.s32 $0x4200  }
0x7: {  	s30 =	simm.s32 $0x5280;
	[smem:$0x7FF] =	sst s5;
	s4 =	sadd.s32 $0x188DC00, s0  }
0x8: {  	s7 =	sshll.u32 s19, $0x4;
	s8 =	smul.u32 $0x1400, s19;
	s6 =	sadd.s32 $0x13A1C00, s0  }
0x9: {  	s11 =	sshrl.u32 s19, $0x2;
	s12 =	sand.u32 $0x1, s9;
	s15 =	sadd.s32 $0x13BF600, s0  }
0xa: {  	s25 =	sshll.u32 s19, $0x8;
	s26 =	smul.u32 $0x28000, s19;
	s16 =	sadd.s32 $0x13E7C00, s0  }
0xb: {  	p0 =	seq.s32 s19, $0xF;
	_ =	strace $0x8000004A;
	s24 =	smul.u32 $0x4E400, s11  }
0xc: {  	s10 =	sadd.s32 s7, s0;
	s7 =	sadd.s32 $0x9DDC00, s0;
	s14 =	smul.u32 $0x1388, s12  }
0xd: {  	s13 =	sshll.u32 s12, $0x7;
	s11 =	sand.u32 $0x300, s25;
	s21 =	smul.u32 $0x2710, s12  }
0xe: {  	[dreg:$0x5] =	wrdreg s15;
	s17 =	ssub.s32 $0x2, s12;
	s22 =	smul.u32 $0x9C800, s12  }
0xf: {  	s25 =	sadd.s32 $0x96000, s3;
	s8 =	sadd.s32 s8, s0;
	s11 =	sor.u32 s13, s11  }
0x10: {  	s20 =	sshrl.u32 s17, $0x1;
	s13 =	sshrl.u32 s26, $0x2;
	[dreg:$0x8] =	wrdreg s25  }
0x11: {  	s26 =	smul.u32 $0xA000, s19;
	s10 =	sadd.s32 $0x9DDA00, s10;
	s9 =	sor.u32 s24, s11  }
0x12: {  	s11 =	smul.u32 $0x4E20, s19;
	s13 =	sadd.s32 s13, s3;
	[dreg:$0xa] =	wrdreg s10  }
0x13: {  	s24 =	ssub.s32 s17, s20;
	s8 =	sadd.s32 $0x13ABC00, s8;
	[dreg:$0x6] =	wrdreg s13  }
0x14: {  	s18 =	sshrl.u32 s9, $0x3;
	s9 =	smul.u32 $0x5000, s19;
	[dreg:$0x7] =	wrdreg s8  }
0x15: {  	s8 =	sshrl.u32 s22, $0x3;
	s13 =	smul.u32 $0x4E200, s19;
	s24 =	smax.u32 s24, $0x1  }
0x16: {  	s23 =	sadd.s32 s18, s0;
	s18 =	smul.u32 $0x271000, s19;
	s0 =	sadd.s32 $0x13BE800, s0  }
0x17: {  	s15 =	sadd.s32 s21, s11;
	s17 =	sadd.s32 s16, s8;
	s8 =	simm.s32 $0x0  }
0x18: {  	[dreg:$0x9] =	wrdreg s0;
	s11 =	sadd.s32 $0x2700, s15;
	s0 =	sadd.s32 s26, s22  }
0x19: {  	s23 =	sadd.s32 $0x13C0A00, s23;
	s12 =	sshrl.u32 s18, $0x3;
	s0 =	sshrl.u32 s0, $0x3  }
0x1a: {  	vm3 =	vcmask $0x3F30;
	s21 =	smul.u32 $0x3, s11;
	s22 =	sshrl.u32 s11, $0x3;
	s18 =	sadd.s32 s13, s4  }
0x1b: {  	s10 =	sadd.s32 s4, s12;
	s0 =	sadd.s32 s16, s0;
	s25 =	sadd.s32 s1, s22  }
0x1c: {  	vm0 =	vcmask $0x1B10;
	vm1 =	vcmask $0xB00;
	v0 =	vlaneseq.u32;
	s20 =	sadd.s32 s7, s22;
	s22 =	sadd.s32 $0x12C00, s17;
	[dreg:$0xb] =	wrdreg s0  }
0x1d: {  	vm2 =	vcmask $0x2F20;
	vm0 =	vmor vm1, vm0;
	vm1 =	vcmask $0x2B20;
	s4 =	simm.s32 $0x5300;
	s10 =	sadd.s32 $0x4E000, s10;
	[dreg:$0xd] =	wrdreg s25  }
0x1e: {  	v2 =	vand.u32 $0x3, v0;
	vm0 =	vmor vm0, vm1;
	vm1 =	vcmask $0x3B30;
	s26 =	sshrl.u32 s21, $0x3;
	s25 =	simm.s32 $0x5480;
	s0 =	simm.s32 $0x5200  }
0x1f: {  	vm0 =	vmor vm0, vm1;
	vm1 =	vcmask $0x1F10;
	v1 =	vmov s14;
	[dreg:$0xc] =	wrdreg s10;
	s21 =	sadd.s32 s2, s26;
	s26 =	simm.s32 $0x1  }
.LBB2_1:
0x20: {  	s10 =	rddreg [dreg:$0x8]  }
0x21: {  	s11 =	simm.s32 @p0 $0x1FC1;
	s12 =	rddreg [dreg:$0x9];
	s10 =	sshrl.u32 @p0 s10, $0x3  }
0x22: {  	[spmem:s10], [sflag:s11] =	dma.local @p0 [hbm:s12], $0xD00  }
0x23: {  	s11 =	simm.s32 @p0 $0x1  }
0x24: {  	s12 =	stileid.u32;
	_ =	swait.ge @p0 [sflag:s11], $0xD00  }
0x25: {  	s12 =	sshll.u32 @!p0 s12, $0x6;
	[sflag:s11] =	ssyncset.done @p0 $0x0  }
0x26: {  	[sflag:s11] =	ssyncadd.s32 @p0 $0xFFFFF300;
	s11 =	sor.u32 @!p0 $0x1C01, s12;
	s12 =	rddreg [dreg:$0x6]  }
0x27: {  	s13 =	rddreg [dreg:$0x7];
	s12 =	sshrl.u32 @!p0 s12, $0x3  }
0x28: {  	[spmem:s12], [sflag:s11] =	dma.local @!p0 [hbm:s13], $0x1400  }
0x29: {  	s13 =	simm.s32 @!p0 $0x1  }
0x2a: {  	_ =	swait.ge @!p0 [sflag:s13], $0x1400  }
0x2b: {  	[sflag:s13] =	ssyncset.done @!p0 $0x0  }
0x2c: {  	s19 =	sand.u32 $0x7C00, s5;
	s17 =	rddreg [dreg:$0x5];
	[sflag:s13] =	ssyncadd.s32 @!p0 $0xFFFFEC00  }
0x2d: {  	[tilespmem:s25], [sflag:$0x1] =	stream.linear.gather [hbm4b:s17+s5], $0x9C80, $0x38;
	[tilespmem:$0x18D80] =	vst v63  }
0x2e: {  	s14 =	sand.u32 $0x380, s5;
	s13 =	sadd.s32 s9, s19;
	_ =	swait.ge [sflag:s26], $0x9C80  }
0x2f: {  	s13 =	sor.u32 s14, s13;
	[sflag:s26] =	ssyncset.done $0x0  }
0x30: {  	s13 =	sshrl.u32 s13, $0x3;
	[sflag:s26] =	ssyncadd.s32 $0xFFFF6380  }
0x31: {  	s13 =	sadd.s32 s6, s13;
	[bflag:$0x0] =	sbarrier.arrive $0xFFFF  }
0x32: {  	[tilespmem:s5], [sflag:$0x1] =	stream.linear.gather [hbm4b:s13+s5], $0x80, $0x38;
	[tilespmem:$0x18D80] =	vst v63  }
0x33: {  	_ =	swait.ge [sflag:s26], $0x80  }
0x34: {  	[sflag:s26] =	ssyncset.done $0x0  }
0x35: {  	[sflag:s26] =	ssyncadd.s32 $0xFFFFFF80  }
0x36: {  	[tilespmem:s28], [sflag:$0x1] =	stream.linear.gather [hbm4b:s18+s5], $0x4000, $0x38;
	[tilespmem:$0x18D80] =	vst v63  }
0x37: {  	_ =	swait.ge [sflag:s26], $0x4000  }
0x38: {  	[sflag:s26] =	ssyncset.done $0x0  }
0x39: {  	[sflag:s26] =	ssyncadd.s32 $0xFFFFC000  }
0x3a: {  	v3 =	vld [tilespmem:$0x50]  }
0x3b: {  	v5 =	vld [tilespmem:$0x60]  }
0x3c: {  	s14 =	smov.u32 s18;
	s13 =	simm.s32 $0x80;
	v4 =	vld [tilespmem:$0x70]  }
.LBB2_2:
0x3d: {  	p1 =	sne.s32 s13, $0x4D80  }
0x3e: {  	v6 =	vld [tilespmem:$0x30];
	s14 =	sadd.s32 $0x800, s14;
	s16 =	smov.u32 s13;
	s13 =	sadd.s32 $0x80, s13  }
0x3f: {  	v7 =	vld [tilespmem:$0x10]  }
0x40: {  	v8 =	vld [tilespmem:$0x20]  }
0x41: {  	s17 =	sand.u32 $0x7C00, s16;
	v9 =	vld [tilespmem:$0x0];
	v5 =	vsub.s32 v5, v1  }
0x42: {  	s16 =	sand.u32 $0x380, s16;
	s17 =	sadd.s32 s9, s17;
	v3 =	vsub.s32 v3, v1;
	v10 =	vld [tilespmem:$0x40];
	v5 =	vmin.u32 v5, $0x1388;
	v4 =	vsub.s32 v4, v1  }
0x43: {  	s16 =	sor.u32 s16, s17;
	v3 =	vmin.u32 v3, $0x1388;
	v6 =	vsub.s32 v6, v1;
	[tilespmem:$0xE0] =	vst v5;
	v4 =	vmin.u32 v4, $0x1388  }
0x44: {  	s16 =	sshrl.u32 s16, $0x3;
	v5 =	vsub.s32 v7, v1;
	v6 =	vmin.u32 v6, $0x1388;
	[tilespmem:$0xF0] =	vst v4  }
0x45: {  	v4 =	vmin.u32 v5, $0x1388;
	v5 =	vsub.s32 v8, v1;
	[tilespmem:$0xD0] =	vst v3  }
0x46: {  	v3 =	vsub.s32 v9, v1;
	v5 =	vmin.u32 v5, $0x1388;
	[tilespmem:$0xB0] =	vst v6  }
0x47: {  	v3 =	vmin.u32 v3, $0x1388;
	[tilespmem:$0x90] =	vst v4;
	v4 =	vsub.s32 v10, v1  }
0x48: {  	[tilespmem:$0xA0] =	vst v5;
	v4 =	vmin.u32 v4, $0x1388  }
0x49: {  	[tilespmem:$0xC0] =	vst v4  }
0x4a: {  	[tilespmem:$0x80] =	vst v3  }
0x4b: {  	[spmem:s3] =	stream.indirect.scatter.add.f32 [tilespmem:s28], [sflag:$0x1], $0x80, s29, s29, $0xb8;
	[tilespmem:$0x18D80] =	vst v63  }
0x4c: {  	s16 =	sadd.s32 s6, s16;
	_ =	swait.ge [sflag:s26], $0x4000  }
0x4d: {  	[sflag:s26] =	ssyncset.done $0x0  }
0x4e: {  	[sflag:s26] =	ssyncadd.s32 $0xFFFFC000  }
0x4f: {  	[tilespmem:s5], [sflag:$0x1] =	stream.linear.gather [hbm4b:s16+s5], $0x80, $0x38;
	[tilespmem:$0x18D80] =	vst v63  }
0x50: {  	_ =	swait.ge [sflag:s26], $0x80  }
0x51: {  	[sflag:s26] =	ssyncset.done $0x0  }
0x52: {  	[sflag:s26] =	ssyncadd.s32 $0xFFFFFF80  }
0x53: {  	[tilespmem:s28], [sflag:$0x1] =	stream.linear.gather [hbm4b:s14+s5], $0x4000, $0x38;
	[tilespmem:$0x18D80] =	vst v63  }
0x54: {  	_ =	swait.ge [sflag:s26], $0x4000  }
.Ltmp0:
0x55: {  	[sflag:s26] =	ssyncset.done $0x0;
	(pc) =	sbr.rel @p1 .LBB2_2-.Ltmp0, $4  }
0x56: {  	[sflag:s26] =	ssyncadd.s32 $0xFFFFC000  }
0x57: {  	v3 =	vld [tilespmem:$0x50]  }
0x58: {  	v5 =	vld [tilespmem:$0x60]  }
0x59: {  	v4 =	vld [tilespmem:$0x70]  }
0x5a: {  	v6 =	vld [tilespmem:$0x30]  }
0x5b: {  	v7 =	vld [tilespmem:$0x10]  }
0x5c: {  	v8 =	vld [tilespmem:$0x20];
	v3 =	vsub.s32 v3, v1  }
0x5d: {  	v10 =	vld [tilespmem:$0x0];
	v5 =	vsub.s32 v5, v1;
	v3 =	vmin.u32 v3, $0x1388  }
0x5e: {  	v9 =	vld [tilespmem:$0x40];
	v5 =	vmin.u32 v5, $0x1388;
	v4 =	vsub.s32 v4, v1;
	[tilespmem:$0xD0] =	vst v3  }
0x5f: {  	[tilespmem:$0xE0] =	vst v5;
	v4 =	vmin.u32 v4, $0x1388;
	v58 =	vsub.s32 v6, v1  }
0x60: {  	v59 =	vsub.s32 v7, v1;
	[tilespmem:$0xF0] =	vst v4;
	v5 =	vmin.u32 v58, $0x1388  }
0x61: {  	v60 =	vsub.s32 v8, v1;
	v3 =	vmin.u32 v59, $0x1388;
	[tilespmem:$0xB0] =	vst v5  }
0x62: {  	v61 =	vsub.s32 v10, v1;
	v4 =	vmin.u32 v60, $0x1388;
	[tilespmem:$0x90] =	vst v3  }
0x63: {  	v62 =	vmin.u32 v61, $0x1388;
	v3 =	vsub.s32 v9, v1;
	[tilespmem:$0xA0] =	vst v4  }
0x64: {  	[tilespmem:$0x80] =	vst v62;
	v3 =	vmin.u32 v3, $0x1388  }
0x65: {  	[tilespmem:$0xC0] =	vst v3  }
0x66: {  	[spmem:s3] =	stream.indirect.scatter.add.f32 [tilespmem:s28], [sflag:$0x1], $0x80, s29, s29, $0xb8;
	[tilespmem:$0x18D80] =	vst v63  }
0x67: {  	_ =	swait.ge [sflag:s26], $0x4000  }
0x68: {  	s13 =	simm.s32 $0x0;
	[sflag:s26] =	ssyncset.done $0x0  }
0x69: {  	s16 =	simm.s32 $0x100;
	s14 =	rddreg [dreg:$0xa];
	[sflag:s26] =	ssyncadd.s32 $0xFFFFC000  }
0x6a: {  	[tilespmem:s16], [sflag:$0x1] =	stream.linear.gather [hbm4b:s14+s13], $0x80, $0x38;
	[tilespmem:$0x18D80] =	vst v63  }
0x6b: {  	_ =	swait.ge [sflag:s26], $0x80  }
0x6c: {  	[sflag:s26] =	ssyncset.done $0x0  }
0x6d: {  	s16 =	rddreg [dreg:$0xc];
	[sflag:s26] =	ssyncadd.s32 $0xFFFFFF80  }
0x6e: {  	[tilespmem:s31], [sflag:$0x1] =	stream.linear.gather [hbm4b:s16+s13], $0x1000, $0x38;
	[tilespmem:$0x18D80] =	vst v63  }
0x6f: {  	_ =	swait.ge [sflag:s26], $0x1000  }
0x70: {  	[sflag:s26] =	ssyncset.done $0x0  }
0x71: {  	[sflag:s26] =	ssyncadd.s32 $0xFFFFF000  }
0x72: {  	v3 =	vld [tilespmem:$0x100]  }
0x73: {  	v63 =	vld [tilespmem:$0x110];
	_ =	sdelay $0x3  }
0x74: {  	v3 =	vsub.s32 v3, v1  }
0x75: {  	v4 =	vsub.s32 v63, v1;
	v3 =	vmin.u32 v3, $0x1388  }
0x76: {  	[tilespmem:$0x180] =	vst v3;
	v3 =	vmin.u32 v4, $0x1388  }
0x77: {  	s17 =	simm.s32 $0x20;
	s19 =	simm.s32 $0x180;
	[tilespmem:$0x190] =	vst v3  }
0x78: {  	[spmem:s3] =	stream.indirect.scatter.add.f32 [tilespmem:s31], [sflag:$0x1], $0x80, s19, s17, $0xb8;
	[tilespmem:$0x18D80] =	vst v63  }
0x79: {  	_ =	swait.ge [sflag:s26], $0x1000  }
0x7a: {  	[sflag:s26] =	ssyncset.done $0x0  }
0x7b: {  	s14 =	simm.s32 $0x0;
	[sflag:s26] =	ssyncadd.s32 $0xFFFFF000  }
.LBB2_4:
0x7c: {  	s16 =	sshll.u32 s14, $0x7  }
0x7d: {  	s16 =	sadd.s32 s15, s16  }
0x7e: {  	s17 =	sshrl.u32 s16, $0x3  }
0x7f: {  	s19 =	sadd.s32 s1, s17  }
0x80: {  	[tilespmem:s0], [sflag:$0x1] =	stream.linear.gather [hbm4b:s19+s13], $0x80, $0x38;
	[tilespmem:$0x18D80] =	vst v63  }
0x81: {  	_ =	swait.ge [sflag:s26], $0x80  }
0x82: {  	[sflag:s26] =	ssyncset.done $0x0  }
0x83: {  	s16 =	smul.u32 $0x3, s16;
	s17 =	sadd.s32 s7, s17;
	[sflag:s26] =	ssyncadd.s32 $0xFFFFFF80  }
0x84: {  	[tilespmem:s30], [sflag:$0x1] =	stream.linear.gather [hbm4b:s17+s13], $0x80, $0x38;
	[tilespmem:$0x18D80] =	vst v63  }
0x85: {  	v3 =	vor.u32 s13, v0;
	_ =	swait.ge [sflag:s26], $0x80  }
0x86: {  	v3 =	vshrl.u32 v3, $0x2;
	s16 =	sshrl.u32 s16, $0x3;
	[sflag:s26] =	ssyncset.done $0x0  }
0x87: {  	v4 =	vmul.u32 $0x3, v3;
	s16 =	sadd.s32 s2, s16;
	[sflag:s26] =	ssyncadd.s32 $0xFFFFFF80  }
0x88: {  	[tilespmem:s4], [sflag:$0x1] =	stream.linear.gather [hbm4b:s16+s13], $0x180, $0x38;
	[tilespmem:$0x18D80] =	vst v63  }
0x89: {  	v4 =	vadd.s32 v2, v4;
	_ =	swait.ge [sflag:s26], $0x180  }
0x8a: {  	v4 =	vmin.u32 v4, $0x17F;
	[sflag:s26] =	ssyncset.done $0x0  }
0x8b: {  	[sflag:s26] =	ssyncadd.s32 $0xFFFFFE80  }
0x8c: {  	v5 =	vld.idx.msk [tilespmem:v3+s0+$0x0], $0xffff;
	_ =	sdelay $0x1  }
0x8d: {  	v6 =	vld.idx.msk [tilespmem:v3+s30+$0x0], $0xffff  }
0x8e: {  	v4 =	vld.idx.msk [tilespmem:v4+s4+$0x0], $0xffff;
	_ =	sdelay $0x1  }
0x8f: {  	v3 =	vshll.u32 v5, $0x2  }
0x90: {  	v3 =	vor.u32 v2, v3  }
0x91: {  	s19 =	simm.s32 $0x10  }
0x92: {  	v5 =	vor.u32 s19, v0;
	v6 =	vmul.f32 v4, v6  }
0x93: {  	v4 =	vshrl.u32 v5, $0x2  }
0x94: {  	v7 =	vmul.u32 $0x3, v4;
	v5 =	vnsel vm0, $0x0, v6  }
0x95: {  	[tilespmem:v3+s25+$0x0] =	vst.idx.add.f32.msk $0xf, v5  }
0x96: {  	v6 =	vadd.s32 v2, v7;
	[tilespmem:v3+s25+$0x0] =	vst.idx.add.f32.msk vm1, v5  }
0x97: {  	s16 =	simm.s32 $0x20;
	v6 =	vmin.u32 v6, $0x17F;
	[tilespmem:v3+s25+$0x0] =	vst.idx.add.f32.msk vm2, v5  }
.LBB2_5:
0x98: {  	p1 =	sne.s32 s16, $0x1F0;
	[tilespmem:v3+s25+$0x0] =	vst.idx.add.f32.msk vm3, v5;
	s17 =	smov.u32 s16;
	s16 =	sadd.s32 $0x10, s16  }
0x99: {  	v3 =	vld.idx.msk [tilespmem:v4+s0+$0x0], $0xffff;
	_ =	sdelay $0x1  }
0x9a: {  	v4 =	vld.idx.msk [tilespmem:v4+s30+$0x0], $0xffff  }
0x9b: {  	v5 =	vld.idx.msk [tilespmem:v6+s4+$0x0], $0xffff;
	_ =	sdelay $0x2  }
0x9c: {  	v3 =	vshll.u32 v3, $0x2  }
0x9d: {  	v3 =	vor.u32 v2, v3;
	_ =	sdelay $0x1  }
0x9e: {  	v6 =	vor.u32 s17, v0;
	v5 =	vmul.f32 v5, v4  }
.Ltmp1:
0x9f: {  	v4 =	vshrl.u32 v6, $0x2;
	(pc) =	sbr.rel @p1 .LBB2_5-.Ltmp1, $4  }
0xa0: {  	v6 =	vmul.u32 $0x3, v4;
	v5 =	vnsel vm0, $0x0, v5  }
0xa1: {  	[tilespmem:v3+s25+$0x0] =	vst.idx.add.f32.msk $0xf, v5  }
0xa2: {  	v6 =	vadd.s32 v2, v6;
	[tilespmem:v3+s25+$0x0] =	vst.idx.add.f32.msk vm1, v5  }
0xa3: {  	v6 =	vmin.u32 v6, $0x17F;
	[tilespmem:v3+s25+$0x0] =	vst.idx.add.f32.msk vm2, v5  }
0xa4: {  	_ =	sdelay $0x4  }
0xa5: {  	[tilespmem:v3+s25+$0x0] =	vst.idx.add.f32.msk vm3, v5  }
0xa6: {  	v3 =	vld.idx.msk [tilespmem:v4+s0+$0x0], $0xffff;
	_ =	sdelay $0x1  }
0xa7: {  	v63 =	vld.idx.msk [tilespmem:v4+s30+$0x0], $0xffff  }
0xa8: {  	v5 =	vld.idx.msk [tilespmem:v6+s4+$0x0], $0xffff;
	_ =	sdelay $0x1  }
0xa9: {  	v3 =	vshll.u32 v3, $0x2  }
0xaa: {  	v3 =	vor.u32 v2, v3;
	_ =	sdelay $0x1  }
0xab: {  	s14 =	sadd.s32 $0x1, s14;
	v4 =	vmul.f32 v5, v63  }
0xac: {  	p1 =	sne.s32 s14, $0x4E  }
.Ltmp2:
0xad: {  	v4 =	vnsel vm0, $0x0, v4;
	(pc) =	sbr.rel @p1 .LBB2_4-.Ltmp2, $4  }
0xae: {  	[tilespmem:v3+s25+$0x0] =	vst.idx.add.f32.msk $0xf, v4  }
0xaf: {  	[tilespmem:v3+s25+$0x0] =	vst.idx.add.f32.msk vm1, v4  }
0xb0: {  	[tilespmem:v3+s25+$0x0] =	vst.idx.add.f32.msk vm2, v4  }
0xb1: {  	[tilespmem:v3+s25+$0x0] =	vst.idx.add.f32.msk vm3, v4  }
0xb2: {  	s13 =	simm.s32 $0x0;
	s14 =	rddreg [dreg:$0xd]  }
0xb3: {  	[tilespmem:s0], [sflag:$0x1] =	stream.linear.gather [hbm4b:s14+s13], $0x10, $0x38;
	[tilespmem:$0x18D80] =	vst v63  }
0xb4: {  	_ =	swait.ge [sflag:s26], $0x10  }
0xb5: {  	[sflag:s26] =	ssyncset.done $0x0  }
0xb6: {  	[sflag:s26] =	ssyncadd.s32 $0xFFFFFFF0  }
0xb7: {  	[tilespmem:s30], [sflag:$0x1] =	stream.linear.gather [hbm4b:s20+s13], $0x10, $0x38;
	[tilespmem:$0x18D80] =	vst v63  }
0xb8: {  	v3 =	vor.u32 s13, v0;
	_ =	swait.ge [sflag:s26], $0x10  }
0xb9: {  	v3 =	vshrl.u32 v3, $0x2;
	[sflag:s26] =	ssyncset.done $0x0  }
0xba: {  	v4 =	vmul.u32 $0x3, v3;
	[sflag:s26] =	ssyncadd.s32 $0xFFFFFFF0  }
0xbb: {  	[tilespmem:s4], [sflag:$0x1] =	stream.linear.gather [hbm4b:s21+s13], $0x30, $0x38;
	[tilespmem:$0x18D80] =	vst v63  }
0xbc: {  	v4 =	vadd.s32 v2, v4;
	_ =	swait.ge [sflag:s26], $0x30  }
0xbd: {  	v4 =	vmin.u32 v4, $0x2F;
	[sflag:s26] =	ssyncset.done $0x0  }
0xbe: {  	[sflag:s26] =	ssyncadd.s32 $0xFFFFFFD0  }
0xbf: {  	v5 =	vld.idx.msk [tilespmem:v3+s0+$0x0], $0xffff;
	_ =	sdelay $0x1  }
0xc0: {  	v6 =	vld.idx.msk [tilespmem:v3+s30+$0x0], $0xffff  }
0xc1: {  	v4 =	vld.idx.msk [tilespmem:v4+s4+$0x0], $0xffff;
	_ =	sdelay $0x1  }
0xc2: {  	v3 =	vshll.u32 v5, $0x2  }
0xc3: {  	v3 =	vor.u32 v2, v3  }
0xc4: {  	s19 =	simm.s32 $0x10  }
0xc5: {  	v5 =	vor.u32 s19, v0;
	v6 =	vmul.f32 v4, v6  }
0xc6: {  	v4 =	vshrl.u32 v5, $0x2  }
0xc7: {  	v7 =	vmul.u32 $0x3, v4;
	v5 =	vnsel vm0, $0x0, v6  }
0xc8: {  	[tilespmem:v3+s25+$0x0] =	vst.idx.add.f32.msk $0xf, v5  }
0xc9: {  	v6 =	vadd.s32 v2, v7;
	[tilespmem:v3+s25+$0x0] =	vst.idx.add.f32.msk vm1, v5  }
0xca: {  	s13 =	simm.s32 $0x20;
	v6 =	vmin.u32 v6, $0x2F;
	[tilespmem:v3+s25+$0x0] =	vst.idx.add.f32.msk vm2, v5  }
.LBB2_8:
0xcb: {  	p1 =	sne.s32 s13, $0x30;
	[tilespmem:v3+s25+$0x0] =	vst.idx.add.f32.msk vm3, v5;
	s14 =	smov.u32 s13;
	s13 =	sadd.s32 $0x10, s13  }
0xcc: {  	v3 =	vld.idx.msk [tilespmem:v4+s0+$0x0], $0xffff;
	_ =	sdelay $0x1  }
0xcd: {  	v4 =	vld.idx.msk [tilespmem:v4+s30+$0x0], $0xffff  }
0xce: {  	v5 =	vld.idx.msk [tilespmem:v6+s4+$0x0], $0xffff;
	_ =	sdelay $0x2  }
0xcf: {  	v3 =	vshll.u32 v3, $0x2  }
0xd0: {  	v3 =	vor.u32 v2, v3;
	_ =	sdelay $0x1  }
0xd1: {  	v6 =	vor.u32 s14, v0;
	v5 =	vmul.f32 v5, v4  }
.Ltmp3:
0xd2: {  	v4 =	vshrl.u32 v6, $0x2;
	(pc) =	sbr.rel @p1 .LBB2_8-.Ltmp3, $4  }
0xd3: {  	v6 =	vmul.u32 $0x3, v4;
	v5 =	vnsel vm0, $0x0, v5  }
0xd4: {  	[tilespmem:v3+s25+$0x0] =	vst.idx.add.f32.msk $0xf, v5  }
0xd5: {  	v6 =	vadd.s32 v2, v6;
	[tilespmem:v3+s25+$0x0] =	vst.idx.add.f32.msk vm1, v5  }
0xd6: {  	v6 =	vmin.u32 v6, $0x2F;
	[tilespmem:v3+s25+$0x0] =	vst.idx.add.f32.msk vm2, v5  }
0xd7: {  	_ =	sdelay $0x4  }
0xd8: {  	[tilespmem:v3+s25+$0x0] =	vst.idx.add.f32.msk vm3, v5  }
0xd9: {  	v3 =	vld.idx.msk [tilespmem:v4+s0+$0x0], $0xffff;
	_ =	sdelay $0x1  }
0xda: {  	v63 =	vld.idx.msk [tilespmem:v4+s30+$0x0], $0xffff  }
0xdb: {  	v5 =	vld.idx.msk [tilespmem:v6+s4+$0x0], $0xffff;
	_ =	sdelay $0x1  }
0xdc: {  	v3 =	vshll.u32 v3, $0x2  }
0xdd: {  	v3 =	vor.u32 v2, v3;
	_ =	sdelay $0x1  }
0xde: {  	v4 =	vmul.f32 v5, v63;
	_ =	sdelay $0x1  }
0xdf: {  	v4 =	vnsel vm0, $0x0, v4  }
0xe0: {  	[tilespmem:v3+s25+$0x0] =	vst.idx.add.f32.msk $0xf, v4  }
0xe1: {  	[tilespmem:v3+s25+$0x0] =	vst.idx.add.f32.msk vm1, v4  }
0xe2: {  	[tilespmem:v3+s25+$0x0] =	vst.idx.add.f32.msk vm2, v4  }
0xe3: {  	[tilespmem:v3+s25+$0x0] =	vst.idx.add.f32.msk vm3, v4  }
0xe4: {  	s13 =	simm.s32 @p0 $0x1FC1;
	[bflag:$0x0] =	sbarrier.arrive $0xFFFF  }
0xe5: {  	[hbm:s22], [sflag:s13] =	dma.local @p0 [spmem:s10], $0xD00  }
0xe6: {  	s10 =	simm.s32 @p0 $0x1  }
0xe7: {  	_ =	swait.ge @p0 [sflag:s10], $0xD00  }
0xe8: {  	[sflag:s10] =	ssyncset.done @p0 $0x0  }
0xe9: {  	[sflag:s10] =	ssyncadd.s32 @p0 $0xFFFFF300;
	s10 =	rddreg [dreg:$0xb]  }
0xea: {  	[hbm:s10], [sflag:s11] =	dma.local @!p0 [spmem:s12], $0x1400  }
0xeb: {  	s10 =	simm.s32 @!p0 $0x1  }
0xec: {  	s8 =	sadd.s32 $0x1, s8;
	_ =	swait.ge @!p0 [sflag:s10], $0x1400  }
0xed: {  	p1 =	sne.s32 s8, s24;
	[sflag:s10] =	ssyncset.done @!p0 $0x0  }
.Ltmp4:
0xee: {  	s19 =	simm.s32 $0x400;
	[sflag:s10] =	ssyncadd.s32 @!p0 $0xFFFFEC00;
	(pc) =	sbr.rel @p1 .LBB2_1-.Ltmp4, $4  }
0xef: {  	[hbm4b:s23+s29] =	stream.strided.scatter [tilespmem:s25], [sflag:$0x1], $0x9C80, s19, s29, $0x38;
	[tilespmem:$0x18D80] =	vst v63  }
0xf0: {  	_ =	swait.ge [sflag:s26], $0x9C80  }
0xf1: {  	[sflag:s26] =	ssyncset.done $0x0  }
0xf2: {  	[sflag:s26] =	ssyncadd.s32 $0xFFFF6380  }
0xf3: {  	_ =	sfence.sel $0x180000  }
0xf4: {  	[bflag:$0x0] =	sbarrier.arrive $0xFFFF  }
0xf5: {  	_ =	strace $0x9000004A  }
0xf6: {  	s0 =	stileid.u32;
	[bflag:$0x2] =	sbarrier.arrive $0xFFFF  }
0xf7: {  	p0 =	sne.s32 s0, $0x0;
	s0 =	rddreg [dreg:$0x4]  }
0xf8: {  	s0 =	sadd.s32 @!p0 $0x100000, s0  }
0xf9: {  	[sflag:s0] =	ssyncadd.tile.s32 @!p0 $0x1;
	_ =	shalt  }
.Lfunc_end2:
_tile_overlayer_lowered:
.L_overlay_start_2:
0xfa: {  	(tag) =	ssettag $0x2  }
0xfb: {  	s0 =	rddreg [dreg:$0x0];
	s2 =	stileid.u32  }
0xfc: {  	s1 =	rddreg [dreg:$0x1];
	p0 =	sne.s32 s2, $0x0  }
0xfd: {  	s3 =	rddreg [dreg:$0x2];
	[bflag:$0x3] =	sbarrier.arrive $0xFFFF;
	s2 =	simm.s32 @!p0 $0x1C01  }
0xfe: {  	[timem:s3], [sflag:s2] =	dma.local @!p0 [hbm:s0], s1  }
0xff: {  	s0 =	simm.s32 @!p0 $0x1  }
0x100: {  	_ =	swait.ge @!p0 [sflag:s0], s1  }
0x101: {  	s1 =	ssub.s32 @!p0 $0x0, s1;
	[sflag:s0] =	ssyncset.done @!p0 $0x0  }
0x102: {  	[sflag:s0] =	ssyncadd.s32 @!p0 s1  }
0x103: {  	[bflag:$0x3] =	sbarrier.arrive $0xFFFF  }
0x104: {  	_ =	shalt  }

// kernel: kernel.7.cloned.1.call-start
scs
__scs_entry_jumppad:
0x0: {  	(pc) =	sbr.rel $0x88, $3  }
0x1: {  	(tag) =	ssettag $0x0;
	lr =	simm.s32 $0x1  }
0x2: {  	[smem:$0x3F8F] =	sst lr;
	_ =	strace $0xD0000000  }
0x3: {  	_ = 	snop  }
0x4: {  	_ = 	snop  }
0x5: {  	_ = 	snop  }
0x6: {  	_ = 	snop  }
0x7: {  	_ = 	snop  }
__scs_overlays_trampoline_lowered:
0x8: {  	[smem:$0x3F9E] =	sst s0  }
0x9: {  	[smem:$0x3F9F] =	sst s1  }
0xa: {  	[smem:$0x3FA0] =	sst s2  }
0xb: {  	[smem:$0x3FA1] =	sst s3  }
0xc: {  	[smem:$0x3FA2] =	sst s4  }
0xd: {  	[smem:$0x3FA3] =	sst s5  }
0xe: {  	[smem:$0x3FA4] =	sst s6  }
0xf: {  	[smem:$0x3FA5] =	sst s7  }
0x10: {  	[smem:$0x3FA6] =	sst s8  }
0x11: {  	[smem:$0x3FA7] =	sst s9;
	s0 =	simm.s32 @!p0 $0x0  }
0x12: {  	s1 =	sld [smem:$0x3F8D];
	s0 =	simm.s32 @p0 $0x1  }
0x13: {  	[smem:$0x3FA8] =	sst s0;
	s0 =	simm.s32 @!p1 $0x0  }
0x14: {  	s2 =	sld [smem:$0x3F8C];
	s0 =	simm.s32 @p1 $0x1  }
0x15: {  	[smem:$0x3FA9] =	sst s0;
	s0 =	simm.s32 @!p2 $0x0  }
0x16: {  	s3 =	sld [smem:$0x3FDB];
	s0 =	simm.s32 @p2 $0x1  }
0x17: {  	s4 =	simm.s32 $0x1BF5;
	[smem:$0x3FAB] =	sst s0  }
0x18: {  	s0 =	sld [smem:$0x3F8E];
	_ =	swait.ge [sflag:s4], $0x0  }
0x19: {  	s7 =	sld [smem:$0x3F8F]  }
0x1a: {  	s8 =	sadd.s32 $0xFFFFE003, lr  }
0x1b: {  	s9 =	sadd.s32 $0xFFFFFEF7, lr;
	s5 =	simm.s32 $0xFFFFFFFF;
	p2 =	slt.u32 s8, $0xFFFFF086  }
0x1c: {  	p1 =	slt.u32 s9, $0xF7A;
	s5 =	simm.s32 @!p2 $0x0  }
0x1d: {  	s5 =	simm.s32 @p1 $0x1;
	p0 =	seq.s32 s7, s2  }
0x1e: {  	s7 =	smul.u32 @!p0 $0xF7A, s2;
	p2 =	seq.s32 @!p0 s5, $0x0  }
0x1f: {  	s9 =	smul.u32 $0xF7A, s1;
	s8 =	simm.s32 @!p0 $0x1BF5;
	p2 =	por !p2, p0  }
0x20: {  	[sflag:s8] =	ssyncset.s32 @!p0 $0xFFFFF086;
	s6 =	sadd.s32 @!p0 s3, s7;
	s7 =	simm.s32 @!p0 $0x108  }
0x21: {  	s3 =	sadd.s32 s3, s9;
	s6 =	sadd.s32 @!p0 $0x88, s6;
	s7 =	simm.s32 @p2 $0x1082  }
0x22: {  	[simem:s7], [sflag:s8] =	dma.local @!p0 [hbm:s6], $0xF7A  }
0x23: {  	s9 =	sor.u32 $0xD0000000, s2;
	s6 =	simm.s32 $0x108;
	_ =	swait.ge @!p0 [sflag:s8], $0x0  }
0x24: {  	s3 =	sadd.s32 $0x88, s3;
	s6 =	simm.s32 @!p1 $0x1082;
	[sflag:s4] =	ssyncset.s32 $0xFFFFF086  }
0x25: {  	[simem:s6], [sflag:s4] =	dma.local [hbm:s3], $0xF7A  }
0x26: {  	[smem:$0x3F8F] =	sst s1;
	(tag) =	ssettag s2;
	_ =	strace s9  }
0x27: {  	s1 =	sld [smem:$0x3F9F]  }
0x28: {  	s2 =	sld [smem:$0x3FA0]  }
0x29: {  	s4 =	sld [smem:$0x3FA2]  }
0x2a: {  	p0 =	seq.s32 s5, $0x0;
	s5 =	sld [smem:$0x3FA3]  }
0x2b: {  	s6 =	sld [smem:$0x3FA4]  }
0x2c: {  	s7 =	sld [smem:$0x3FA5]  }
0x2d: {  	s3 =	simm.s32 $0x108;
	s8 =	sld [smem:$0x3FA6]  }
0x2e: {  	s3 =	simm.s32 @!p0 $0x1082;
	s9 =	sld [smem:$0x3FA7]  }
0x2f: {  	lr =	sadd.s32 s0, s3;
	s0 =	sld [smem:$0x3F9E]  }
0x30: {  	s3 =	sld [smem:$0x3FA1]  }
0x31: {  	[smem:$0x3FAA] =	sst s10  }
0x32: {  	s10 =	sld [smem:$0x3FA8];
	_ =	sdelay $0x3  }
0x33: {  	p0 =	seq.s32 s10, $0x1;
	s10 =	sld [smem:$0x3FAA];
	_ =	sdelay $0x3  }
0x34: {  	[smem:$0x3FAA] =	sst s10  }
0x35: {  	s10 =	sld [smem:$0x3FA9];
	_ =	sdelay $0x3  }
0x36: {  	p1 =	seq.s32 s10, $0x1;
	s10 =	sld [smem:$0x3FAA];
	_ =	sdelay $0x3  }
0x37: {  	[smem:$0x3FAA] =	sst s10  }
0x38: {  	s10 =	sld [smem:$0x3FAB]  }
0x39: {  	_ = 	snop;
	(pc) =	sbr.ind lr, $3  }
0x3a: {  	_ = 	snop  }
0x3b: {  	_ = 	snop  }
0x3c: {  	p2 =	seq.s32 s10, $0x1;
	s10 =	sld [smem:$0x3FAA]  }
0x3d: {  	_ =	shalt  }
0x3e: {  	_ =	shalt  }
0x3f: {  	_ =	shalt  }
0x40: {  	_ =	shalt  }
0x41: {  	_ =	shalt  }
0x42: {  	_ =	shalt  }
0x43: {  	_ =	shalt  }
0x44: {  	_ =	shalt  }
0x45: {  	_ =	shalt  }
0x46: {  	_ =	shalt  }
0x47: {  	_ =	shalt  }
0x48: {  	_ =	shalt  }
0x49: {  	_ =	shalt  }
0x4a: {  	_ =	shalt  }
0x4b: {  	_ =	shalt  }
0x4c: {  	_ =	shalt  }
0x4d: {  	_ =	shalt  }
0x4e: {  	_ =	shalt  }
0x4f: {  	_ =	shalt  }
0x50: {  	_ =	shalt  }
0x51: {  	_ =	shalt  }
0x52: {  	_ =	shalt  }
0x53: {  	_ =	shalt  }
0x54: {  	_ =	shalt  }
0x55: {  	_ =	shalt  }
0x56: {  	_ =	shalt  }
0x57: {  	_ =	shalt  }
0x58: {  	_ =	shalt  }
0x59: {  	_ =	shalt  }
0x5a: {  	_ =	shalt  }
0x5b: {  	_ =	shalt  }
0x5c: {  	_ =	shalt  }
0x5d: {  	_ =	shalt  }
0x5e: {  	_ =	shalt  }
0x5f: {  	_ =	shalt  }
0x60: {  	_ =	shalt  }
0x61: {  	_ =	shalt  }
0x62: {  	_ =	shalt  }
0x63: {  	_ =	shalt  }
0x64: {  	_ =	shalt  }
0x65: {  	_ =	shalt  }
0x66: {  	_ =	shalt  }
0x67: {  	_ =	shalt  }
0x68: {  	_ =	shalt  }
0x69: {  	_ =	shalt  }
0x6a: {  	_ =	shalt  }
0x6b: {  	_ =	shalt  }
0x6c: {  	_ =	shalt  }
0x6d: {  	_ =	shalt  }
0x6e: {  	_ =	shalt  }
0x6f: {  	_ =	shalt  }
0x70: {  	_ =	shalt  }
0x71: {  	_ =	shalt  }
0x72: {  	_ =	shalt  }
0x73: {  	_ =	shalt  }
0x74: {  	_ =	shalt  }
0x75: {  	_ =	shalt  }
0x76: {  	_ =	shalt  }
0x77: {  	_ =	shalt  }
0x78: {  	_ =	shalt  }
0x79: {  	_ =	shalt  }
0x7a: {  	_ =	shalt  }
0x7b: {  	_ =	shalt  }
0x7c: {  	_ =	shalt  }
0x7d: {  	_ =	shalt  }
0x7e: {  	_ =	shalt  }
0x7f: {  	_ =	shalt  }
0x80: {  	_ =	shalt  }
0x81: {  	_ =	shalt  }
0x82: {  	_ =	shalt  }
0x83: {  	_ =	shalt  }
0x84: {  	_ =	shalt  }
0x85: {  	_ =	shalt  }
0x86: {  	_ =	shalt  }
0x87: {  	_ =	shalt  }
.Lfunc_end0:
.L_simem_size_0:
called_computation_lowered:
.L_overlay_start_0:
0x88: {  	s2 =	sld [smem:$0x3FD9]  }
0x89: {  	s3 =	sld [smem:$0x3FFE];
	_ =	sdelay $0x1  }
0x8a: {  	s1 =	srdreg.scid  }
0x8b: {  	s0 =	sand.u32 $0x1, s1  }
0x8c: {  	s14 =	sshll.u32 s0, $0xA;
	s2 =	sadd.s32 s3, s2  }
0x8d: {  	s2 =	sadd.s32 s2, s14  }
0x8e: {  	[smem:$0x3FB6] =	sst s2  }
0x8f: {  	_ = 	snop  }
0x90: {  	s2 =	sld [smem:$0x3FD0];
	_ =	sdelay $0x2  }
0x91: {  	s4 =	simm.s32 $0xA;
	s5 =	simm.s32 $0x10;
	s15 =	sld [smem:$0x3FC9]  }
0x92: {  	[smem:s5], [sflag:s4] =	dma.local [hbm:s2], $0x1  }
0x93: {  	_ =	swait.eq [sflag:s4], $0x1  }
0x94: {  	[sflag:s4] =	ssyncset.done $0x0  }
0x95: {  	[sflag:s4] =	ssyncadd.s32 $0xFFFFFFFF  }
0x96: {  	s16 =	sld [smem:$0x11];
	(tm) =	ssettm $0x1  }
0x97: {  	s17 =	sld [smem:$0x3FFB];
	_ =	sdelay $0x3  }
0x98: {  	_ =	strace s17  }
0x99: {  	s4 =	sld [smem:$0x3FFC];
	_ =	sdelay $0x3  }
0x9a: {  	_ =	strace s4  }
0x9b: {  	s4 =	sld [smem:$0x3FFD];
	_ =	sdelay $0x3  }
0x9c: {  	_ =	strace s4  }
0x9d: {  	_ =	strace $0x8FFFFFFF  }
0x9e: {  	s18 =	sld [smem:$0x3FDB];
	_ =	sdelay $0x1  }
0x9f: {  	s19 =	simm.s32 $_scs_section_size  }
0xa0: {  	s6 =	simm.s32 $_size__tile_overlayer_lowered;
	s7 =	simm.s32 $_tile_overlayer_lowered  }
0xa1: {  	s22 =	simm.s32 $0x1BFF;
	s21 =	sshll.u32 s7, $0x1;
	s4 =	sadd.s32 s19, s18  }
0xa2: {  	s8 =	simm.s32 $0x0;
	s20 =	sshll.u32 s6, $0x1;
	s6 =	sadd.s32 s21, s4  }
0xa3: {  	[timem:s8], [sflag:s22] =	dma.local [hbm:s6], s20  }
0xa4: {  	_ =	swait.ge [sflag:s22], s20  }
0xa5: {  	s5 =	ssub.s32 $0x0, s20;
	[sflag:s22] =	ssyncset.done $0x0  }
0xa6: {  	[sflag:s22] =	ssyncadd.s32 s5;
	_ =	sdelay $0x1  }
0xa7: {  	s23 =	simm.s32 $0x1B8B  }
0xa8: {  	_ =	swait.ge [sflag:s23], $0x1  }
0xa9: {  	[sflag:s23] =	ssyncset.done $0x0  }
0xaa: {  	s25 =	simm.s32 $0x1B8E;
	s24 =	sld [smem:$0x3FFE];
	[sflag:s23] =	ssyncadd.s32 $0xFFFFFFFF  }
0xab: {  	s26 =	simm.s32 $execute0_lowered;
	[smem:$0x3FD2] =	sst s25  }
0xac: {  	s6 =	sshll.u32 s26, $0x1;
	_ =	strace $0x80000046;
	[dreg:$0x1] =	wrdreg $0xFFFFFFFF  }
0xad: {  	s28 =	simm.s32 $_size_execute0_lowered;
	s4 =	sadd.s32 s4, s6;
	[dreg:$0x0] =	wrdreg $0x0  }
0xae: {  	s6 =	sshll.u32 s28, $0x1;
	[dreg:$0x2] =	wrdreg s4  }
0xaf: {  	[dreg:$0x3] =	wrdreg s6  }
0xb0: {  	[dreg:$0x4] =	wrdreg $0xC0  }
0xb1: {  	_ =	task [dreg:s8], $0x5FFFF  }
0xb2: {  	[dreg:$0x1] =	wrdreg $0xFFFFFFFF  }
0xb3: {  	[dreg:$0x0] =	wrdreg $0x60  }
0xb4: {  	[dreg:$0x2] =	wrdreg s15  }
0xb5: {  	[dreg:$0x3] =	wrdreg s24  }
0xb6: {  	[dreg:$0x4] =	wrdreg s16  }
0xb7: {  	[dreg:$0x5] =	wrdreg $0x9  }
0xb8: {  	_ =	task.clear_ibuf [dreg:s8], $0x6FFFF;
	_ =	strace $0x90000046  }
0xb9: {  	s29 =	simm.s32 $0x9;
	_ =	strace $0x80000048  }
0xba: {  	_ =	swait.ge [sflag:s29], $0x1  }
0xbb: {  	[sflag:s29] =	ssyncadd.s32 $0xFFFFFFFF  }
0xbc: {  	_ =	strace $0x90000048  }
0xbd: {  	_ =	sfence  }
0xbe: {  	s30 =	sld [smem:$0x0];
	_ =	sdelay $0x2  }
0xbf: {  	s31 =	sshll.u32 s1, $0xD;
	s1 =	sshrl.u32 s1, $0x2  }
0xc0: {  	s3 =	sand.u32 $0x4000, s31;
	s1 =	sadd.s32 s1, s30  }
0xc1: {  	s0 =	sor.u32 s3, s0;
	s1 =	sshll.u32 s1, $0x11  }
0xc2: {  	s0 =	sor.u32 s1, s0  }
0xc3: {  	s0 =	sadd.s32 $0x8F2B, s0  }
0xc4: {  	[sflag:s0] =	ssyncadd.remote.s32 $0x1  }
0xc5: {  	_ =	sfence.sel $0xFFFF  }
0xc6: {  	[dreg:$0x0] =	wrdreg $0xFFFFFFFF;
	(pc) =	sbr.abs _section_cstart, $3  }
0xc7: {  	[dreg:$0x1] =	wrdreg $0xFFFFFFFF  }
0xc8: {  	_ =	task.clear_ibuf [dreg:s8], $0x2FFFF;
	_ =	strace $0x9FFFFFFF  }
0xc9: {  	(tm) =	ssettm $0x7FFFFFFF  }
tec
execute0_lowered:
.L_overlay_start_1:
0x0: {  	(tag) =	ssettag $0x1  }
0x1: {  	s1 =	rddreg [dreg:$0x0]  }
0x2: {  	s6 =	rddreg [dreg:$0x1]  }
0x3: {  	s7 =	rddreg [dreg:$0x2];
	s4 =	srdreg.scid  }
0x4: {  	s2 =	stileid.u32;
	s3 =	simm.s32 $0x0;
	s17 =	simm.s32 $0x80  }
0x5: {  	s18 =	simm.s32 $0x200;
	s19 =	simm.s32 $0x4200;
	s20 =	simm.s32 $0x1  }
0x6: {  	s21 =	simm.s32 $0x2;
	s22 =	simm.s32 $0x10;
	s23 =	simm.s32 $0x8200  }
0x7: {  	s24 =	simm.s32 $0x0;
	s8 =	sand.u32 $0x1, s4;
	s28 =	sshll.u32 s2, $0x1  }
0x8: {  	[smem:$0x7FF] =	sst s3;
	s4 =	sadd.s32 $0x5600, s6;
	s5 =	sadd.s32 $0xF600, s6  }
0x9: {  	s13 =	sadd.s32 $0x19600, s6;
	s15 =	smul.u32 $0x271000, s2;
	s16 =	sadd.s32 $0x4FB600, s6  }
0xa: {  	s9 =	sor.u32 s8, s28;
	_ =	strace $0x80000047;
	s14 =	ssub.s32 $0x2, s8  }
0xb: {  	s8 =	smul.u32 $0x138800, s8;
	s10 =	sshll.u32 s9, $0x4;
	s29 =	sshrl.u32 s14, $0x1  }
0xc: {  	s12 =	smul.u32 $0x138800, s9;
	s11 =	sadd.s32 s10, s6;
	s14 =	ssub.s32 s14, s29  }
0xd: {  	s6 =	sadd.s32 s7, s10;
	s31 =	sadd.s32 s8, s15;
	s8 =	smul.u32 $0x2800, s9  }
0xe: {  	s30 =	sshrl.u32 s12, $0x3;
	s7 =	sadd.s32 $0x5400, s11;
	s15 =	sshrl.u32 s31, $0x3  }
0xf: {  	s11 =	smax.u32 s14, $0x1;
	s14 =	simm.s32 $0x100;
	s10 =	sadd.s32 $0x27000, s30  }
0x10: {  	s12 =	sadd.s32 s15, s16;
	s9 =	sadd.s32 s13, s10;
	s10 =	sadd.s32 s16, s10  }
0x11: {  	s13 =	sadd.s32 s15, s13;
	s15 =	simm.s32 $0x3;
	s16 =	simm.s32 $0x180  }
.LBB2_1:
0x12: {  	[tilespmem:s14], [sflag:$0x3] =	stream.linear.gather [hbm4b:s6+s3], $0x80, $0x38;
	[tilespmem:$0x8A00] =	vst v63  }
0x13: {  	_ =	swait.ge [sflag:s15], $0x80  }
0x14: {  	s25 =	sand.u32 $0x3C00, s3;
	[sflag:s15] =	ssyncset.done $0x0  }
0x15: {  	s26 =	sand.u32 $0x380, s3;
	s25 =	sadd.s32 s8, s25;
	[sflag:s15] =	ssyncadd.s32 $0xFFFFFF80  }
0x16: {  	[tilespmem:s16], [sflag:$0x3] =	stream.linear.gather [hbm4b:s7+s3], $0x80, $0x38;
	[tilespmem:$0x8A00] =	vst v63  }
0x17: {  	s25 =	sor.u32 s26, s25;
	_ =	swait.ge [sflag:s15], $0x80  }
0x18: {  	s25 =	sshrl.u32 s25, $0x3;
	[sflag:s15] =	ssyncset.done $0x0  }
0x19: {  	s31 =	sadd.s32 s4, s25;
	[sflag:s15] =	ssyncadd.s32 $0xFFFFFF80  }
0x1a: {  	[tilespmem:s3], [sflag:$0x3] =	stream.linear.gather [hbm4b:s31+s3], $0x80, $0x38;
	[tilespmem:$0x8A00] =	vst v63  }
0x1b: {  	_ =	swait.ge [sflag:s15], $0x80  }
0x1c: {  	[sflag:s15] =	ssyncset.done $0x0  }
0x1d: {  	s25 =	sadd.s32 s5, s25;
	[sflag:s15] =	ssyncadd.s32 $0xFFFFFF80  }
0x1e: {  	[tilespmem:s17], [sflag:$0x3] =	stream.linear.gather [hbm4b:s25+s3], $0x80, $0x38;
	[tilespmem:$0x8A00] =	vst v63  }
0x1f: {  	_ =	swait.ge [sflag:s15], $0x80  }
0x20: {  	[sflag:s15] =	ssyncset.done $0x0  }
0x21: {  	[sflag:s15] =	ssyncadd.s32 $0xFFFFFF80  }
0x22: {  	[tilespmem:s18], [sflag:$0x1] =	stream.indirect.gather [hbm4b:s1+s17], $0x80, s3, s17, $0xb8;
	[tilespmem:$0x8A00] =	vst v63  }
0x23: {  	_ = 	snop  }
0x24: {  	[tilespmem:s19], [sflag:$0x2] =	stream.indirect.gather [hbm4b:s1+s17], $0x80, s17, s17, $0xb8;
	[tilespmem:$0x8A00] =	vst v63  }
0x25: {  	_ =	swait.ge [sflag:s20], $0x4000  }
0x26: {  	[sflag:s20] =	ssyncset.done $0x0  }
0x27: {  	[sflag:s20] =	ssyncadd.s32 $0xFFFFC000  }
0x28: {  	[hbm4b:s13+s3] =	stream.linear.scatter [tilespmem:s18], [sflag:$0x3], $0x4000, $0x38;
	[tilespmem:$0x8A00] =	vst v63  }
0x29: {  	_ =	swait.ge [sflag:s15], $0x4000  }
0x2a: {  	s0 =	simm.s32 $0x80;
	s28 =	simm.s32 $0x100;
	[sflag:s15] =	ssyncset.done $0x0  }
0x2b: {  	s29 =	smov.u32 s12;
	s31 =	sand.u32 $0x3C00, s0;
	[sflag:s15] =	ssyncadd.s32 $0xFFFFC000  }
0x2c: {  	s26 =	sadd.s32 s8, s31;
	s25 =	sand.u32 $0x380, s0;
	_ =	swait.ge [sflag:s21], $0x4000  }
0x2d: {  	s25 =	sor.u32 s25, s26;
	s26 =	sadd.s32 $0x800, s13;
	[sflag:s21] =	ssyncset.done $0x0  }
0x2e: {  	s30 =	sshrl.u32 s25, $0x3;
	s25 =	sadd.s32 $0x800, s12;
	[sflag:s21] =	ssyncadd.s32 $0xFFFFC000  }
.LBB2_2:
0x2f: {  	[hbm4b:s29+s3] =	stream.linear.scatter [tilespmem:s19], [sflag:$0x3], $0x4000, $0x38;
	[tilespmem:$0x8A00] =	vst v63  }
0x30: {  	s31 =	smov.u32 s28;
	s29 =	smov.u32 s25  }
0x31: {  	p0 =	sne.s32 s28, $0x2680;
	s28 =	sadd.s32 $0x80, s28;
	_ =	swait.ge [sflag:s15], $0x4000  }
0x32: {  	[sflag:s15] =	ssyncset.done $0x0  }
0x33: {  	s0 =	sadd.s32 s4, s30;
	[sflag:s15] =	ssyncadd.s32 $0xFFFFC000  }
0x34: {  	[tilespmem:s3], [sflag:$0x3] =	stream.linear.gather [hbm4b:s0+s3], $0x80, $0x38;
	[tilespmem:$0x8A00] =	vst v63  }
0x35: {  	_ =	swait.ge [sflag:s15], $0x80  }
0x36: {  	[sflag:s15] =	ssyncset.done $0x0  }
0x37: {  	s0 =	sadd.s32 s5, s30;
	[sflag:s15] =	ssyncadd.s32 $0xFFFFFF80  }
0x38: {  	[tilespmem:s17], [sflag:$0x3] =	stream.linear.gather [hbm4b:s0+s3], $0x80, $0x38;
	[tilespmem:$0x8A00] =	vst v63  }
0x39: {  	_ =	swait.ge [sflag:s15], $0x80  }
0x3a: {  	[sflag:s15] =	ssyncset.done $0x0  }
0x3b: {  	[sflag:s15] =	ssyncadd.s32 $0xFFFFFF80  }
0x3c: {  	[tilespmem:s18], [sflag:$0x1] =	stream.indirect.gather [hbm4b:s1+s17], $0x80, s3, s17, $0xb8;
	[tilespmem:$0x8A00] =	vst v63  }
0x3d: {  	_ = 	snop  }
0x3e: {  	[tilespmem:s19], [sflag:$0x2] =	stream.indirect.gather [hbm4b:s1+s17], $0x80, s17, s17, $0xb8;
	[tilespmem:$0x8A00] =	vst v63  }
0x3f: {  	_ =	swait.ge [sflag:s20], $0x4000  }
0x40: {  	[sflag:s20] =	ssyncset.done $0x0  }
0x41: {  	[sflag:s20] =	ssyncadd.s32 $0xFFFFC000  }
0x42: {  	[hbm4b:s26+s3] =	stream.linear.scatter [tilespmem:s18], [sflag:$0x3], $0x4000, $0x38;
	[tilespmem:$0x8A00] =	vst v63  }
0x43: {  	_ =	swait.ge [sflag:s15], $0x4000  }
.Ltmp0:
0x44: {  	[sflag:s15] =	ssyncset.done $0x0;
	(pc) =	sbr.rel @p0 .LBB2_2-.Ltmp0, $4  }
0x45: {  	s0 =	sand.u32 $0x3C00, s31;
	[sflag:s15] =	ssyncadd.s32 $0xFFFFC000  }
0x46: {  	s30 =	sand.u32 $0x380, s31;
	s0 =	sadd.s32 s8, s0;
	_ =	swait.ge [sflag:s21], $0x4000  }
0x47: {  	s0 =	sor.u32 s30, s0;
	s26 =	sadd.s32 $0x800, s26;
	[sflag:s21] =	ssyncset.done $0x0  }
0x48: {  	s25 =	sadd.s32 $0x800, s25;
	s30 =	sshrl.u32 s0, $0x3;
	[sflag:s21] =	ssyncadd.s32 $0xFFFFC000  }
0x49: {  	[hbm4b:s29+s3] =	stream.linear.scatter [tilespmem:s19], [sflag:$0x3], $0x4000, $0x38;
	[tilespmem:$0x8A00] =	vst v63  }
0x4a: {  	_ =	swait.ge [sflag:s15], $0x4000  }
0x4b: {  	[sflag:s15] =	ssyncset.done $0x0  }
0x4c: {  	s0 =	sadd.s32 s4, s30;
	[sflag:s15] =	ssyncadd.s32 $0xFFFFC000  }
0x4d: {  	[tilespmem:s3], [sflag:$0x3] =	stream.linear.gather [hbm4b:s0+s3], $0x80, $0x38;
	[tilespmem:$0x8A00] =	vst v63  }
0x4e: {  	_ =	swait.ge [sflag:s15], $0x80  }
0x4f: {  	[sflag:s15] =	ssyncset.done $0x0  }
0x50: {  	s31 =	sadd.s32 s5, s30;
	[sflag:s15] =	ssyncadd.s32 $0xFFFFFF80  }
0x51: {  	[tilespmem:s17], [sflag:$0x3] =	stream.linear.gather [hbm4b:s31+s3], $0x80, $0x38;
	[tilespmem:$0x8A00] =	vst v63  }
0x52: {  	_ =	swait.ge [sflag:s15], $0x80  }
0x53: {  	[sflag:s15] =	ssyncset.done $0x0  }
0x54: {  	[sflag:s15] =	ssyncadd.s32 $0xFFFFFF80  }
0x55: {  	[tilespmem:s18], [sflag:$0x1] =	stream.indirect.gather [hbm4b:s1+s17], $0x80, s3, s17, $0xb8;
	[tilespmem:$0x8A00] =	vst v63  }
0x56: {  	_ = 	snop  }
0x57: {  	[tilespmem:s19], [sflag:$0x2] =	stream.indirect.gather [hbm4b:s1+s17], $0x80, s17, s17, $0xb8;
	[tilespmem:$0x8A00] =	vst v63  }
0x58: {  	_ =	swait.ge [sflag:s20], $0x4000  }
0x59: {  	[sflag:s20] =	ssyncset.done $0x0  }
0x5a: {  	[sflag:s20] =	ssyncadd.s32 $0xFFFFC000  }
0x5b: {  	[hbm4b:s26+s3] =	stream.linear.scatter [tilespmem:s18], [sflag:$0x3], $0x4000, $0x38;
	[tilespmem:$0x8A00] =	vst v63  }
0x5c: {  	_ =	swait.ge [sflag:s15], $0x4000  }
0x5d: {  	[sflag:s15] =	ssyncset.done $0x0  }
0x5e: {  	[sflag:s15] =	ssyncadd.s32 $0xFFFFC000  }
0x5f: {  	_ =	swait.ge [sflag:s21], $0x4000  }
0x60: {  	[sflag:s21] =	ssyncset.done $0x0  }
0x61: {  	[sflag:s21] =	ssyncadd.s32 $0xFFFFC000  }
0x62: {  	[hbm4b:s25+s3] =	stream.linear.scatter [tilespmem:s19], [sflag:$0x3], $0x4000, $0x38;
	[tilespmem:$0x8A00] =	vst v63  }
0x63: {  	_ =	swait.ge [sflag:s15], $0x4000  }
0x64: {  	[sflag:s15] =	ssyncset.done $0x0  }
0x65: {  	[sflag:s15] =	ssyncadd.s32 $0xFFFFC000  }
0x66: {  	[tilespmem:s23], [sflag:$0x1] =	stream.indirect.gather [hbm4b:s1+s22], $0x80, s14, s22, $0xb8;
	[tilespmem:$0x8A00] =	vst v63  }
0x67: {  	_ =	swait.ge [sflag:s20], $0x800  }
0x68: {  	[sflag:s20] =	ssyncset.done $0x0  }
0x69: {  	[sflag:s20] =	ssyncadd.s32 $0xFFFFF800  }
0x6a: {  	[hbm4b:s9+s3] =	stream.linear.scatter [tilespmem:s23], [sflag:$0x3], $0x800, $0x38;
	[tilespmem:$0x8A00] =	vst v63  }
0x6b: {  	_ =	swait.ge [sflag:s15], $0x800  }
0x6c: {  	[sflag:s15] =	ssyncset.done $0x0  }
0x6d: {  	[sflag:s15] =	ssyncadd.s32 $0xFFFFF800  }
0x6e: {  	[tilespmem:s23], [sflag:$0x1] =	stream.indirect.gather [hbm4b:s1+s22], $0x80, s16, s22, $0xb8;
	[tilespmem:$0x8A00] =	vst v63  }
0x6f: {  	s24 =	sadd.s32 $0x1, s24;
	_ =	swait.ge [sflag:s20], $0x800  }
0x70: {  	p0 =	sne.s32 s24, s11;
	[sflag:s20] =	ssyncset.done $0x0  }
.Ltmp1:
0x71: {  	[sflag:s20] =	ssyncadd.s32 $0xFFFFF800;
	(pc) =	sbr.rel @p0 .LBB2_1-.Ltmp1, $4  }
0x72: {  	[hbm4b:s10+s3] =	stream.linear.scatter [tilespmem:s23], [sflag:$0x3], $0x800, $0x38;
	[tilespmem:$0x8A00] =	vst v63  }
0x73: {  	_ =	swait.ge [sflag:s15], $0x800  }
0x74: {  	[sflag:s15] =	ssyncset.done $0x0  }
0x75: {  	[sflag:s15] =	ssyncadd.s32 $0xFFFFF800  }
0x76: {  	_ =	sfence.sel $0x180000  }
0x77: {  	[bflag:$0x0] =	sbarrier.arrive $0xFFFF  }
0x78: {  	_ =	strace $0x90000047  }
0x79: {  	[bflag:$0x2] =	sbarrier.arrive $0xFFFF  }
0x7a: {  	p0 =	sne.s32 s2, $0x0;
	s0 =	rddreg [dreg:$0x3]  }
0x7b: {  	s0 =	sadd.s32 @!p0 $0x100000, s0  }
0x7c: {  	[sflag:s0] =	ssyncadd.tile.s32 @!p0 $0x1;
	_ =	shalt  }
.Lfunc_end2:
_tile_overlayer_lowered:
.L_overlay_start_2:
0x7d: {  	(tag) =	ssettag $0x2  }
0x7e: {  	s0 =	rddreg [dreg:$0x0];
	s2 =	stileid.u32  }
0x7f: {  	s1 =	rddreg [dreg:$0x1];
	p0 =	sne.s32 s2, $0x0  }
0x80: {  	s3 =	rddreg [dreg:$0x2];
	[bflag:$0x3] =	sbarrier.arrive $0xFFFF;
	s2 =	simm.s32 @!p0 $0x1C03  }
0x81: {  	[timem:s3], [sflag:s2] =	dma.local @!p0 [hbm:s0], s1  }
0x82: {  	s0 =	simm.s32 @!p0 $0x3  }
0x83: {  	_ =	swait.ge @!p0 [sflag:s0], s1  }
0x84: {  	s1 =	ssub.s32 @!p0 $0x0, s1;
	[sflag:s0] =	ssyncset.done @!p0 $0x0  }
0x85: {  	[sflag:s0] =	ssyncadd.s32 @!p0 s1  }
0x86: {  	[bflag:$0x3] =	sbarrier.arrive $0xFFFF  }
0x87: {  	_ =	shalt  }

</sc_bundles>
